<compile_context>
chip_gen: v7x
topology: tpu7x:2x2x1
jax: 0.10.2.dev20260603
libtpu: 0.0.44.dev20260713+nightly
codegen_flags: <defaults>
</compile_context>

<pallas_src>
import functools

import jax
import jax.numpy as jnp
from jax import lax
from jax.experimental import pallas as pl
from jax.experimental.pallas import tpu as pltpu
from jax.experimental.pallas import tpu_sc as plsc

_NW = 32
_L = 16
_ROUND_C = float(1.5 * 2.0 ** 23)
_TPAD = 80
_ROWS_W = 96
_CHR = 32
_NCH = 3
_W = 384
_VPC = _CHR * _W // _L


def _sc_body(x_hbm, s_hbm, m_hbm, cat_hbm, out_hbm,
             t0_v, t1_v, t2_v, cst_v, xb0, xb1, sb0, sb1, mb0, mb1, ob0, ob1,
             isem0, isem1, osem0, osem1):
    wid = lax.axis_index("s") * 2 + lax.axis_index("c")
    bidx = wid // 4
    r0 = (wid % 4) * _ROWS_W

    hcat = (pltpu.async_copy(cat_hbm.at[pl.ds(0, _TPAD)], t0_v, osem0),
            pltpu.async_copy(cat_hbm.at[pl.ds(_TPAD, _TPAD)], t1_v, osem0),
            pltpu.async_copy(cat_hbm.at[pl.ds(2 * _TPAD, _TPAD)], t2_v, osem0),
            pltpu.async_copy(cat_hbm.at[pl.ds(3 * _TPAD, 2 * _L)], cst_v, osem0))

    xbufs, sbufs, mbufs, obufs = (xb0, xb1), (sb0, sb1), (mb0, mb1), (ob0, ob1)
    isems, osems = (isem0, isem1), (osem0, osem1)

    def sl(ref, c):
        return ref.at[bidx, pl.ds(r0 + c * _CHR, _CHR), :]

    def fire_in(c):
        b = c % 2
        return (pltpu.async_copy(sl(x_hbm, c), xbufs[b], isems[b]),
                pltpu.async_copy(sl(s_hbm, c), sbufs[b], isems[b]),
                pltpu.async_copy(sl(m_hbm, c), mbufs[b], isems[b]))

    hin = fire_in(0)
    for h in hcat:
        h.wait()
    av = cst_v[0:_L]
    bv = cst_v[_L:2 * _L]
    hout = [None, None]
    for c in range(_NCH):
        b = c % 2
        nxt = fire_in(c + 1) if c + 1 < _NCH else None
        for h in hin:
            h.wait()
        if hout[b] is not None:
            hout[b].wait()
        xb, sb, mb, ob = xbufs[b], sbufs[b], mbufs[b], obufs[b]

        @plsc.parallel_loop(0, _VPC, 1, unroll=8)
        def vec(i):
            r = i // 24
            coff = pl.multiple_of(i * _L - r * _W, _L)
            xv = xb[r, pl.ds(coff, _L)]
            sv = sb[r, pl.ds(coff, _L)]
            mv = mb[r, pl.ds(coff, _L)]
            sa = jnp.abs(sv)
            bits = lax.bitcast_convert_type(sa, jnp.int32)
            u = bits.astype(jnp.float32) * av + bv
            w = jnp.clip(u.astype(jnp.int32), 0, 62)
            t0 = plsc.load_gather(t0_v, [w])
            t1 = plsc.load_gather(t1_v, [w])
            t2 = plsc.load_gather(t2_v, [w])
            d0 = sa - t0
            d1 = sa - t1
            d2 = sa - t2
            qs = jnp.where(d0 + d1 > 0.0, t1, t0)
            qs = jnp.where(d1 + d2 > 0.0, t2, qs)
            v = (xv - mv) / qs
            rr = (v + _ROUND_C) - _ROUND_C
            ob[r, pl.ds(coff, _L)] = rr * qs + mv

        hout[b] = pltpu.async_copy(ob, sl(out_hbm, c), osems[b])
        hin = nxt
    for h in hout:
        if h is not None:
            h.wait()


@jax.jit
def kernel(inputs, scale, mean, scale_table):
    B, H, W = inputs.shape

    pad = jnp.full((_TPAD - 64,), 1e30, jnp.float32)
    t0_tab = jnp.concatenate([scale_table, pad])
    t1_tab = jnp.concatenate([scale_table[1:], pad, pad[:1]])
    t2_tab = jnp.concatenate([scale_table[2:], pad, pad[:2]])

    t0 = scale_table[0]
    t63 = scale_table[63]
    dlog2 = (jnp.log2(t63) - jnp.log2(t0)) * jnp.float32(1.0 / 63.0)
    a = jnp.float32(1.0 / 8388608.0) / dlog2
    b = -(jnp.float32(126.9569643) + jnp.log2(t0)) / dlog2 - jnp.float32(1.0)
    cat = jnp.concatenate([t0_tab, t1_tab, t2_tab,
                           jnp.full((_L,), a, jnp.float32),
                           jnp.full((_L,), b, jnp.float32)])

    mesh = plsc.VectorSubcoreMesh(core_axis_name="c", subcore_axis_name="s")
    fn = functools.partial(
        pl.kernel,
        mesh=mesh,
        out_type=jax.ShapeDtypeStruct((B, H, W), jnp.float32),
        compiler_params=pltpu.CompilerParams(needs_layout_passes=False),
        scratch_types=[
            pltpu.VMEM((_TPAD,), jnp.float32),
            pltpu.VMEM((_TPAD,), jnp.float32),
            pltpu.VMEM((_TPAD,), jnp.float32),
            pltpu.VMEM((2 * _L,), jnp.float32),
            pltpu.VMEM((_CHR, _W), jnp.float32),
            pltpu.VMEM((_CHR, _W), jnp.float32),
            pltpu.VMEM((_CHR, _W), jnp.float32),
            pltpu.VMEM((_CHR, _W), jnp.float32),
            pltpu.VMEM((_CHR, _W), jnp.float32),
            pltpu.VMEM((_CHR, _W), jnp.float32),
            pltpu.VMEM((_CHR, _W), jnp.float32),
            pltpu.VMEM((_CHR, _W), jnp.float32),
            pltpu.SemaphoreType.DMA,
            pltpu.SemaphoreType.DMA,
            pltpu.SemaphoreType.DMA,
            pltpu.SemaphoreType.DMA,
        ],
    )(_sc_body)
    return fn(inputs, scale, mean, cat)

# --- scband reference (transcript-rebuilt; emitter-appended) ---
"""Pipeline reference for scband-patched-gaussian-conditional-72816875536919 (READ-ONLY COPY).

The authoritative reference and input builder live on the scoring server;
editing this copy changes nothing except your own understanding.
"""

import jax, jax.numpy as jnp
import numpy as np


def setup_inputs(seed: int = 0) -> dict:
    key = jax.random.key(seed)
    k1, k2, k3 = jax.random.split(key, 3)
    inputs = jax.random.normal(k1, (8, 384, 384), dtype=jnp.float32)
    # scale parameter: positive-ish values spanning the table range
    scale = jax.random.uniform(k2, (8, 384, 384), dtype=jnp.float32, minval=0.05, maxval=8.0)
    mean = jax.random.normal(k3, (8, 384, 384), dtype=jnp.float32) * 0.1
    # standard exponential scale table (CompressAI-style), K=64 entries, sorted ascending
    scale_table = jnp.exp(jnp.linspace(jnp.log(0.11), jnp.log(64.0), 64)).astype(jnp.float32)
    return {"inputs": inputs, "scale": scale, "mean": mean, "scale_table": scale_table}


def quantize_scale(scale, scale_table):
    s = jnp.abs(scale)
    s = jnp.clip(s, scale_table[0], scale_table[-1])
    # [B,H,W,1] - [K] -> [B,H,W,K] distances, nearest-entry lookup (vector-quantization of scales)
    distances = jnp.abs(s[..., None] - scale_table)
    indices = jnp.argmin(distances, axis=-1)
    return jnp.take(scale_table, indices, axis=0)


def reference(inputs, scale, mean, scale_table):
    qs = quantize_scale(scale, scale_table)
    # compress
    quantized = jnp.round((inputs - mean) / qs)
    # decompress
    outputs = quantized * qs + mean
    return outputs

if __name__ == "__main__":
    import jax
    _d = setup_inputs()
    print(jax.jit(kernel)(*tuple(_d.values())))

</pallas_src>

<mosaic_0001>
#map = affine_map<(d0, d1) -> (0, 0, 0)>
#map1 = affine_map<(d0, d1) -> (0)>
module attributes {stable_mosaic.version = 14 : i64} {
  func.func @_sc_body(%arg0: i32, %arg1: i32, %arg2: memref<8x384x384xf32, #tpu.memory_space<hbm>>, %arg3: memref<8x384x384xf32, #tpu.memory_space<hbm>>, %arg4: memref<8x384x384xf32, #tpu.memory_space<hbm>>, %arg5: memref<272xf32, #tpu.memory_space<hbm>>, %arg6: memref<8x384x384xf32, #tpu.memory_space<hbm>>, %arg7: memref<80xf32, #tpu.memory_space<vmem>>, %arg8: memref<80xf32, #tpu.memory_space<vmem>>, %arg9: memref<80xf32, #tpu.memory_space<vmem>>, %arg10: memref<32xf32, #tpu.memory_space<vmem>>, %arg11: memref<32x384xf32, #tpu.memory_space<vmem>>, %arg12: memref<32x384xf32, #tpu.memory_space<vmem>>, %arg13: memref<32x384xf32, #tpu.memory_space<vmem>>, %arg14: memref<32x384xf32, #tpu.memory_space<vmem>>, %arg15: memref<32x384xf32, #tpu.memory_space<vmem>>, %arg16: memref<32x384xf32, #tpu.memory_space<vmem>>, %arg17: memref<32x384xf32, #tpu.memory_space<vmem>>, %arg18: memref<32x384xf32, #tpu.memory_space<vmem>>, %arg19: memref<!tpu.dma_semaphore, #tpu.memory_space<semaphore_mem>>, %arg20: memref<!tpu.dma_semaphore, #tpu.memory_space<semaphore_mem>>, %arg21: memref<!tpu.dma_semaphore, #tpu.memory_space<semaphore_mem>>, %arg22: memref<!tpu.dma_semaphore, #tpu.memory_space<semaphore_mem>>) attributes {dimension_semantics = [#tpu.dimension_semantics<core_parallel>, #tpu.dimension_semantics<subcore_parallel>], iteration_bounds = array<i64: 2, 16>, scalar_prefetch = 0 : i64, scratch_operands = 16 : i64, tpu.core_type = #tpu.core_type<sc_vector_subcore>, window_params = [{transform_indices = #map}, {transform_indices = #map}, {transform_indices = #map}, {transform_indices = #map1}, {transform_indices = #map}]} {
    %mul3A = arith.constant 2 : i32
    %mul3A_0 = arith.muli %arg1, %mul3A : i32
    %add3A = arith.addi %mul3A_0, %arg0 : i32
    %jit3A = arith.constant 4 : i32
    %div3A = arith.divsi %add3A, %jit3A : i32
    %sign3A = arith.constant 0 : i32
    %sign3A_1 = arith.cmpi sgt, %add3A, %sign3A : i32
    %sign3A_2 = arith.extui %sign3A_1 : i1 to i32
    %sign3A_3 = arith.constant 0 : i32
    %sign3A_4 = arith.cmpi slt, %add3A, %sign3A_3 : i32
    %sign3A_5 = arith.extui %sign3A_4 : i1 to i32
    %sign3A_6 = arith.subi %sign3A_2, %sign3A_5 : i32
    %sign3A_7 = arith.constant 0 : i32
    %sign3A_8 = arith.cmpi sgt, %jit3A, %sign3A_7 : i32
    %sign3A_9 = arith.extui %sign3A_8 : i1 to i32
    %sign3A_10 = arith.constant 0 : i32
    %sign3A_11 = arith.cmpi slt, %jit3A, %sign3A_10 : i32
    %sign3A_12 = arith.extui %sign3A_11 : i1 to i32
    %sign3A_13 = arith.subi %sign3A_9, %sign3A_12 : i32
    %ne3A = arith.cmpi ne, %sign3A_6, %sign3A_13 : i32
    %rem3A = arith.remsi %add3A, %jit3A : i32
    %ne3A_14 = arith.constant 0 : i32
    %ne3A_15 = arith.cmpi ne, %rem3A, %ne3A_14 : i32
    %and3A = arith.andi %ne3A, %ne3A_15 : i1
    %sub3A = arith.constant 1 : i32
    %sub3A_16 = arith.subi %div3A, %sub3A : i32
    %select_n3A = arith.select %and3A, %sub3A_16, %div3A : i32
    %jit3A_17 = arith.constant 4 : i32
    %eq3A = arith.constant 0 : i32
    %eq3A_18 = arith.cmpi eq, %jit3A_17, %eq3A : i32
    %jit3A_19 = arith.constant 1 : i32
    %select_n3A_20 = arith.select %eq3A_18, %jit3A_19, %jit3A_17 : i32
    %rem3A_21 = arith.remsi %add3A, %select_n3A_20 : i32
    %ne3A_22 = arith.constant 0 : i32
    %ne3A_23 = arith.cmpi ne, %rem3A_21, %ne3A_22 : i32
    %lt3A = arith.constant 0 : i32
    %lt3A_24 = arith.cmpi slt, %rem3A_21, %lt3A : i32
    %lt3A_25 = arith.constant 0 : i32
    %lt3A_26 = arith.cmpi slt, %select_n3A_20, %lt3A_25 : i32
    %ne3A_27 = arith.xori %lt3A_24, %lt3A_26 : i1
    %and3A_28 = arith.andi %ne3A_27, %ne3A_23 : i1
    %add3A_29 = arith.addi %rem3A_21, %select_n3A_20 : i32
    %select_n3A_30 = arith.select %and3A_28, %add3A_29, %rem3A_21 : i32
    %mul3A_31 = arith.constant 96 : i32
    %mul3A_32 = arith.muli %select_n3A_30, %mul3A_31 : i32
    %dma_start3A = arith.constant 0 : i32
    %dma_start3A_33 = tpu.memref_slice %arg5[%dma_start3A] : memref<272xf32, #tpu.memory_space<hbm>> -> memref<80xf32, #tpu.memory_space<hbm>>
    %dma_start3A_34 = arith.constant 0 : i32
    %dma_start3A_35 = tpu.memref_slice %arg5[%dma_start3A_34] : memref<272xf32, #tpu.memory_space<hbm>> -> memref<80xf32, #tpu.memory_space<hbm>>
    tpu.enqueue_dma source(%dma_start3A_35 : memref<80xf32, #tpu.memory_space<hbm>>) target(%arg7 : memref<80xf32, #tpu.memory_space<vmem>>) target_semaphore(%arg21 : memref<!tpu.dma_semaphore, #tpu.memory_space<semaphore_mem>>)
    %dma_start3A_36 = arith.constant 80 : i32
    %dma_start3A_37 = tpu.memref_slice %arg5[%dma_start3A_36] : memref<272xf32, #tpu.memory_space<hbm>> -> memref<80xf32, #tpu.memory_space<hbm>>
    %dma_start3A_38 = arith.constant 80 : i32
    %dma_start3A_39 = tpu.memref_slice %arg5[%dma_start3A_38] : memref<272xf32, #tpu.memory_space<hbm>> -> memref<80xf32, #tpu.memory_space<hbm>>
    tpu.enqueue_dma source(%dma_start3A_39 : memref<80xf32, #tpu.memory_space<hbm>>) target(%arg8 : memref<80xf32, #tpu.memory_space<vmem>>) target_semaphore(%arg21 : memref<!tpu.dma_semaphore, #tpu.memory_space<semaphore_mem>>)
    %dma_start3A_40 = arith.constant 160 : i32
    %dma_start3A_41 = tpu.memref_slice %arg5[%dma_start3A_40] : memref<272xf32, #tpu.memory_space<hbm>> -> memref<80xf32, #tpu.memory_space<hbm>>
    %dma_start3A_42 = arith.constant 160 : i32
    %dma_start3A_43 = tpu.memref_slice %arg5[%dma_start3A_42] : memref<272xf32, #tpu.memory_space<hbm>> -> memref<80xf32, #tpu.memory_space<hbm>>
    tpu.enqueue_dma source(%dma_start3A_43 : memref<80xf32, #tpu.memory_space<hbm>>) target(%arg9 : memref<80xf32, #tpu.memory_space<vmem>>) target_semaphore(%arg21 : memref<!tpu.dma_semaphore, #tpu.memory_space<semaphore_mem>>)
    %dma_start3A_44 = arith.constant 240 : i32
    %dma_start3A_45 = tpu.memref_slice %arg5[%dma_start3A_44] : memref<272xf32, #tpu.memory_space<hbm>> -> memref<32xf32, #tpu.memory_space<hbm>>
    %dma_start3A_46 = arith.constant 240 : i32
    %dma_start3A_47 = tpu.memref_slice %arg5[%dma_start3A_46] : memref<272xf32, #tpu.memory_space<hbm>> -> memref<32xf32, #tpu.memory_space<hbm>>
    tpu.enqueue_dma source(%dma_start3A_47 : memref<32xf32, #tpu.memory_space<hbm>>) target(%arg10 : memref<32xf32, #tpu.memory_space<vmem>>) target_semaphore(%arg21 : memref<!tpu.dma_semaphore, #tpu.memory_space<semaphore_mem>>)
    %add3A_48 = arith.constant 0 : i32
    %add3A_49 = arith.addi %mul3A_32, %add3A_48 : i32
    %dma_start3A_50 = arith.constant 0 : i32
    %dma_start3A_51 = tpu.memref_slice %arg2[%select_n3A, %add3A_49, %dma_start3A_50] : memref<8x384x384xf32, #tpu.memory_space<hbm>> -> memref<1x32x384xf32, #tpu.memory_space<hbm>>
    %dma_start3A_52 = tpu.memref_squeeze %dma_start3A_51 : memref<1x32x384xf32, #tpu.memory_space<hbm>> -> memref<32x384xf32, #tpu.memory_space<hbm>>
    %dma_start3A_53 = arith.constant 0 : i32
    %dma_start3A_54 = tpu.memref_slice %arg2[%select_n3A, %add3A_49, %dma_start3A_53] : memref<8x384x384xf32, #tpu.memory_space<hbm>> -> memref<1x32x384xf32, #tpu.memory_space<hbm>>
    %dma_start3A_55 = tpu.memref_squeeze %dma_start3A_54 : memref<1x32x384xf32, #tpu.memory_space<hbm>> -> memref<32x384xf32, #tpu.memory_space<hbm>>
    tpu.enqueue_dma source(%dma_start3A_55 : memref<32x384xf32, #tpu.memory_space<hbm>>) target(%arg11 : memref<32x384xf32, #tpu.memory_space<vmem>>) target_semaphore(%arg19 : memref<!tpu.dma_semaphore, #tpu.memory_space<semaphore_mem>>)
    %add3A_56 = arith.constant 0 : i32
    %add3A_57 = arith.addi %mul3A_32, %add3A_56 : i32
    %dma_start3A_58 = arith.constant 0 : i32
    %dma_start3A_59 = tpu.memref_slice %arg3[%select_n3A, %add3A_57, %dma_start3A_58] : memref<8x384x384xf32, #tpu.memory_space<hbm>> -> memref<1x32x384xf32, #tpu.memory_space<hbm>>
    %dma_start3A_60 = tpu.memref_squeeze %dma_start3A_59 : memref<1x32x384xf32, #tpu.memory_space<hbm>> -> memref<32x384xf32, #tpu.memory_space<hbm>>
    %dma_start3A_61 = arith.constant 0 : i32
    %dma_start3A_62 = tpu.memref_slice %arg3[%select_n3A, %add3A_57, %dma_start3A_61] : memref<8x384x384xf32, #tpu.memory_space<hbm>> -> memref<1x32x384xf32, #tpu.memory_space<hbm>>
    %dma_start3A_63 = tpu.memref_squeeze %dma_start3A_62 : memref<1x32x384xf32, #tpu.memory_space<hbm>> -> memref<32x384xf32, #tpu.memory_space<hbm>>
    tpu.enqueue_dma source(%dma_start3A_63 : memref<32x384xf32, #tpu.memory_space<hbm>>) target(%arg13 : memref<32x384xf32, #tpu.memory_space<vmem>>) target_semaphore(%arg19 : memref<!tpu.dma_semaphore, #tpu.memory_space<semaphore_mem>>)
    %add3A_64 = arith.constant 0 : i32
    %add3A_65 = arith.addi %mul3A_32, %add3A_64 : i32
    %dma_start3A_66 = arith.constant 0 : i32
    %dma_start3A_67 = tpu.memref_slice %arg4[%select_n3A, %add3A_65, %dma_start3A_66] : memref<8x384x384xf32, #tpu.memory_space<hbm>> -> memref<1x32x384xf32, #tpu.memory_space<hbm>>
    %dma_start3A_68 = tpu.memref_squeeze %dma_start3A_67 : memref<1x32x384xf32, #tpu.memory_space<hbm>> -> memref<32x384xf32, #tpu.memory_space<hbm>>
    %dma_start3A_69 = arith.constant 0 : i32
    %dma_start3A_70 = tpu.memref_slice %arg4[%select_n3A, %add3A_65, %dma_start3A_69] : memref<8x384x384xf32, #tpu.memory_space<hbm>> -> memref<1x32x384xf32, #tpu.memory_space<hbm>>
    %dma_start3A_71 = tpu.memref_squeeze %dma_start3A_70 : memref<1x32x384xf32, #tpu.memory_space<hbm>> -> memref<32x384xf32, #tpu.memory_space<hbm>>
    tpu.enqueue_dma source(%dma_start3A_71 : memref<32x384xf32, #tpu.memory_space<hbm>>) target(%arg15 : memref<32x384xf32, #tpu.memory_space<vmem>>) target_semaphore(%arg19 : memref<!tpu.dma_semaphore, #tpu.memory_space<semaphore_mem>>)
    %dma_wait3A = arith.constant 0 : i32
    %dma_wait3A_72 = tpu.memref_slice %arg5[%dma_wait3A] : memref<272xf32, #tpu.memory_space<hbm>> -> memref<80xf32, #tpu.memory_space<hbm>>
    %dma_wait3A_73 = arith.constant 0 : i32
    %dma_wait3A_74 = tpu.memref_slice %arg5[%dma_wait3A_73] : memref<272xf32, #tpu.memory_space<hbm>> -> memref<80xf32, #tpu.memory_space<hbm>>
    tpu.wait_dma2 semaphore(%arg21 : memref<!tpu.dma_semaphore, #tpu.memory_space<semaphore_mem>>) src(%dma_wait3A_74 : memref<80xf32, #tpu.memory_space<hbm>>) dst(%arg7 : memref<80xf32, #tpu.memory_space<vmem>>)
    %dma_wait3A_75 = arith.constant 80 : i32
    %dma_wait3A_76 = tpu.memref_slice %arg5[%dma_wait3A_75] : memref<272xf32, #tpu.memory_space<hbm>> -> memref<80xf32, #tpu.memory_space<hbm>>
    %dma_wait3A_77 = arith.constant 80 : i32
    %dma_wait3A_78 = tpu.memref_slice %arg5[%dma_wait3A_77] : memref<272xf32, #tpu.memory_space<hbm>> -> memref<80xf32, #tpu.memory_space<hbm>>
    tpu.wait_dma2 semaphore(%arg21 : memref<!tpu.dma_semaphore, #tpu.memory_space<semaphore_mem>>) src(%dma_wait3A_78 : memref<80xf32, #tpu.memory_space<hbm>>) dst(%arg8 : memref<80xf32, #tpu.memory_space<vmem>>)
    %dma_wait3A_79 = arith.constant 160 : i32
    %dma_wait3A_80 = tpu.memref_slice %arg5[%dma_wait3A_79] : memref<272xf32, #tpu.memory_space<hbm>> -> memref<80xf32, #tpu.memory_space<hbm>>
    %dma_wait3A_81 = arith.constant 160 : i32
    %dma_wait3A_82 = tpu.memref_slice %arg5[%dma_wait3A_81] : memref<272xf32, #tpu.memory_space<hbm>> -> memref<80xf32, #tpu.memory_space<hbm>>
    tpu.wait_dma2 semaphore(%arg21 : memref<!tpu.dma_semaphore, #tpu.memory_space<semaphore_mem>>) src(%dma_wait3A_82 : memref<80xf32, #tpu.memory_space<hbm>>) dst(%arg9 : memref<80xf32, #tpu.memory_space<vmem>>)
    %dma_wait3A_83 = arith.constant 240 : i32
    %dma_wait3A_84 = tpu.memref_slice %arg5[%dma_wait3A_83] : memref<272xf32, #tpu.memory_space<hbm>> -> memref<32xf32, #tpu.memory_space<hbm>>
    %dma_wait3A_85 = arith.constant 240 : i32
    %dma_wait3A_86 = tpu.memref_slice %arg5[%dma_wait3A_85] : memref<272xf32, #tpu.memory_space<hbm>> -> memref<32xf32, #tpu.memory_space<hbm>>
    tpu.wait_dma2 semaphore(%arg21 : memref<!tpu.dma_semaphore, #tpu.memory_space<semaphore_mem>>) src(%dma_wait3A_86 : memref<32xf32, #tpu.memory_space<hbm>>) dst(%arg10 : memref<32xf32, #tpu.memory_space<vmem>>)
    %get3A = arith.constant 0 : index
    %get3A_87 = tpu.vector_load %arg10[%get3A] {strides = array<i32>} : memref<32xf32, #tpu.memory_space<vmem>>, vector<16xf32>,
    %get3A_88 = arith.constant 16 : index
    %get3A_89 = tpu.vector_load %arg10[%get3A_88] {strides = array<i32>} : memref<32xf32, #tpu.memory_space<vmem>>, vector<16xf32>,
    %add3A_90 = arith.constant 32 : i32
    %add3A_91 = arith.addi %mul3A_32, %add3A_90 : i32
    %dma_start3A_92 = arith.constant 0 : i32
    %dma_start3A_93 = tpu.memref_slice %arg2[%select_n3A, %add3A_91, %dma_start3A_92] : memref<8x384x384xf32, #tpu.memory_space<hbm>> -> memref<1x32x384xf32, #tpu.memory_space<hbm>>
    %dma_start3A_94 = tpu.memref_squeeze %dma_start3A_93 : memref<1x32x384xf32, #tpu.memory_space<hbm>> -> memref<32x384xf32, #tpu.memory_space<hbm>>
    %dma_start3A_95 = arith.constant 0 : i32
    %dma_start3A_96 = tpu.memref_slice %arg2[%select_n3A, %add3A_91, %dma_start3A_95] : memref<8x384x384xf32, #tpu.memory_space<hbm>> -> memref<1x32x384xf32, #tpu.memory_space<hbm>>
    %dma_start3A_97 = tpu.memref_squeeze %dma_start3A_96 : memref<1x32x384xf32, #tpu.memory_space<hbm>> -> memref<32x384xf32, #tpu.memory_space<hbm>>
    tpu.enqueue_dma source(%dma_start3A_97 : memref<32x384xf32, #tpu.memory_space<hbm>>) target(%arg12 : memref<32x384xf32, #tpu.memory_space<vmem>>) target_semaphore(%arg20 : memref<!tpu.dma_semaphore, #tpu.memory_space<semaphore_mem>>)
    %add3A_98 = arith.constant 32 : i32
    %add3A_99 = arith.addi %mul3A_32, %add3A_98 : i32
    %dma_start3A_100 = arith.constant 0 : i32
    %dma_start3A_101 = tpu.memref_slice %arg3[%select_n3A, %add3A_99, %dma_start3A_100] : memref<8x384x384xf32, #tpu.memory_space<hbm>> -> memref<1x32x384xf32, #tpu.memory_space<hbm>>
    %dma_start3A_102 = tpu.memref_squeeze %dma_start3A_101 : memref<1x32x384xf32, #tpu.memory_space<hbm>> -> memref<32x384xf32, #tpu.memory_space<hbm>>
    %dma_start3A_103 = arith.constant 0 : i32
    %dma_start3A_104 = tpu.memref_slice %arg3[%select_n3A, %add3A_99, %dma_start3A_103] : memref<8x384x384xf32, #tpu.memory_space<hbm>> -> memref<1x32x384xf32, #tpu.memory_space<hbm>>
    %dma_start3A_105 = tpu.memref_squeeze %dma_start3A_104 : memref<1x32x384xf32, #tpu.memory_space<hbm>> -> memref<32x384xf32, #tpu.memory_space<hbm>>
    tpu.enqueue_dma source(%dma_start3A_105 : memref<32x384xf32, #tpu.memory_space<hbm>>) target(%arg14 : memref<32x384xf32, #tpu.memory_space<vmem>>) target_semaphore(%arg20 : memref<!tpu.dma_semaphore, #tpu.memory_space<semaphore_mem>>)
    %add3A_106 = arith.constant 32 : i32
    %add3A_107 = arith.addi %mul3A_32, %add3A_106 : i32
    %dma_start3A_108 = arith.constant 0 : i32
    %dma_start3A_109 = tpu.memref_slice %arg4[%select_n3A, %add3A_107, %dma_start3A_108] : memref<8x384x384xf32, #tpu.memory_space<hbm>> -> memref<1x32x384xf32, #tpu.memory_space<hbm>>
    %dma_start3A_110 = tpu.memref_squeeze %dma_start3A_109 : memref<1x32x384xf32, #tpu.memory_space<hbm>> -> memref<32x384xf32, #tpu.memory_space<hbm>>
    %dma_start3A_111 = arith.constant 0 : i32
    %dma_start3A_112 = tpu.memref_slice %arg4[%select_n3A, %add3A_107, %dma_start3A_111] : memref<8x384x384xf32, #tpu.memory_space<hbm>> -> memref<1x32x384xf32, #tpu.memory_space<hbm>>
    %dma_start3A_113 = tpu.memref_squeeze %dma_start3A_112 : memref<1x32x384xf32, #tpu.memory_space<hbm>> -> memref<32x384xf32, #tpu.memory_space<hbm>>
    tpu.enqueue_dma source(%dma_start3A_113 : memref<32x384xf32, #tpu.memory_space<hbm>>) target(%arg16 : memref<32x384xf32, #tpu.memory_space<vmem>>) target_semaphore(%arg20 : memref<!tpu.dma_semaphore, #tpu.memory_space<semaphore_mem>>)
    %dma_wait3A_114 = arith.constant 0 : i32
    %dma_wait3A_115 = tpu.memref_slice %arg2[%select_n3A, %add3A_49, %dma_wait3A_114] : memref<8x384x384xf32, #tpu.memory_space<hbm>> -> memref<1x32x384xf32, #tpu.memory_space<hbm>>
    %dma_wait3A_116 = tpu.memref_squeeze %dma_wait3A_115 : memref<1x32x384xf32, #tpu.memory_space<hbm>> -> memref<32x384xf32, #tpu.memory_space<hbm>>
    %dma_wait3A_117 = arith.constant 0 : i32
    %dma_wait3A_118 = tpu.memref_slice %arg2[%select_n3A, %add3A_49, %dma_wait3A_117] : memref<8x384x384xf32, #tpu.memory_space<hbm>> -> memref<1x32x384xf32, #tpu.memory_space<hbm>>
    %dma_wait3A_119 = tpu.memref_squeeze %dma_wait3A_118 : memref<1x32x384xf32, #tpu.memory_space<hbm>> -> memref<32x384xf32, #tpu.memory_space<hbm>>
    tpu.wait_dma2 semaphore(%arg19 : memref<!tpu.dma_semaphore, #tpu.memory_space<semaphore_mem>>) src(%dma_wait3A_119 : memref<32x384xf32, #tpu.memory_space<hbm>>) dst(%arg11 : memref<32x384xf32, #tpu.memory_space<vmem>>)
    %dma_wait3A_120 = arith.constant 0 : i32
    %dma_wait3A_121 = tpu.memref_slice %arg3[%select_n3A, %add3A_57, %dma_wait3A_120] : memref<8x384x384xf32, #tpu.memory_space<hbm>> -> memref<1x32x384xf32, #tpu.memory_space<hbm>>
    %dma_wait3A_122 = tpu.memref_squeeze %dma_wait3A_121 : memref<1x32x384xf32, #tpu.memory_space<hbm>> -> memref<32x384xf32, #tpu.memory_space<hbm>>
    %dma_wait3A_123 = arith.constant 0 : i32
    %dma_wait3A_124 = tpu.memref_slice %arg3[%select_n3A, %add3A_57, %dma_wait3A_123] : memref<8x384x384xf32, #tpu.memory_space<hbm>> -> memref<1x32x384xf32, #tpu.memory_space<hbm>>
    %dma_wait3A_125 = tpu.memref_squeeze %dma_wait3A_124 : memref<1x32x384xf32, #tpu.memory_space<hbm>> -> memref<32x384xf32, #tpu.memory_space<hbm>>
    tpu.wait_dma2 semaphore(%arg19 : memref<!tpu.dma_semaphore, #tpu.memory_space<semaphore_mem>>) src(%dma_wait3A_125 : memref<32x384xf32, #tpu.memory_space<hbm>>) dst(%arg13 : memref<32x384xf32, #tpu.memory_space<vmem>>)
    %dma_wait3A_126 = arith.constant 0 : i32
    %dma_wait3A_127 = tpu.memref_slice %arg4[%select_n3A, %add3A_65, %dma_wait3A_126] : memref<8x384x384xf32, #tpu.memory_space<hbm>> -> memref<1x32x384xf32, #tpu.memory_space<hbm>>
    %dma_wait3A_128 = tpu.memref_squeeze %dma_wait3A_127 : memref<1x32x384xf32, #tpu.memory_space<hbm>> -> memref<32x384xf32, #tpu.memory_space<hbm>>
    %dma_wait3A_129 = arith.constant 0 : i32
    %dma_wait3A_130 = tpu.memref_slice %arg4[%select_n3A, %add3A_65, %dma_wait3A_129] : memref<8x384x384xf32, #tpu.memory_space<hbm>> -> memref<1x32x384xf32, #tpu.memory_space<hbm>>
    %dma_wait3A_131 = tpu.memref_squeeze %dma_wait3A_130 : memref<1x32x384xf32, #tpu.memory_space<hbm>> -> memref<32x384xf32, #tpu.memory_space<hbm>>
    tpu.wait_dma2 semaphore(%arg19 : memref<!tpu.dma_semaphore, #tpu.memory_space<semaphore_mem>>) src(%dma_wait3A_131 : memref<32x384xf32, #tpu.memory_space<hbm>>) dst(%arg15 : memref<32x384xf32, #tpu.memory_space<vmem>>)
    %parallel_loop3A = arith.constant 0 : i32
    %parallel_loop3A_132 = arith.constant 768 : i32
    %parallel_loop3A_133 = arith.constant 1 : i32
    scf.for %parallel_loop3A_242 = %parallel_loop3A to %parallel_loop3A_132 step %parallel_loop3A_133  : i32 {
      %parallel_loop3A_243 = arith.constant 24 : i32
      %parallel_loop3A_244 = arith.divsi %parallel_loop3A_242, %parallel_loop3A_243 : i32
      %parallel_loop3A_245 = arith.constant 0 : i32
      %parallel_loop3A_246 = arith.cmpi sgt, %parallel_loop3A_242, %parallel_loop3A_245 : i32
      %parallel_loop3A_247 = arith.extui %parallel_loop3A_246 : i1 to i32
      %parallel_loop3A_248 = arith.constant 0 : i32
      %parallel_loop3A_249 = arith.cmpi slt, %parallel_loop3A_242, %parallel_loop3A_248 : i32
      %parallel_loop3A_250 = arith.extui %parallel_loop3A_249 : i1 to i32
      %parallel_loop3A_251 = arith.subi %parallel_loop3A_247, %parallel_loop3A_250 : i32
      %parallel_loop3A_252 = arith.constant 0 : i32
      %parallel_loop3A_253 = arith.cmpi sgt, %parallel_loop3A_243, %parallel_loop3A_252 : i32
      %parallel_loop3A_254 = arith.extui %parallel_loop3A_253 : i1 to i32
      %parallel_loop3A_255 = arith.constant 0 : i32
      %parallel_loop3A_256 = arith.cmpi slt, %parallel_loop3A_243, %parallel_loop3A_255 : i32
      %parallel_loop3A_257 = arith.extui %parallel_loop3A_256 : i1 to i32
      %parallel_loop3A_258 = arith.subi %parallel_loop3A_254, %parallel_loop3A_257 : i32
      %parallel_loop3A_259 = arith.cmpi ne, %parallel_loop3A_251, %parallel_loop3A_258 : i32
      %parallel_loop3A_260 = arith.remsi %parallel_loop3A_242, %parallel_loop3A_243 : i32
      %parallel_loop3A_261 = arith.constant 0 : i32
      %parallel_loop3A_262 = arith.cmpi ne, %parallel_loop3A_260, %parallel_loop3A_261 : i32
      %parallel_loop3A_263 = arith.andi %parallel_loop3A_259, %parallel_loop3A_262 : i1
      %parallel_loop3A_264 = arith.constant 1 : i32
      %parallel_loop3A_265 = arith.subi %parallel_loop3A_244, %parallel_loop3A_264 : i32
      %parallel_loop3A_266 = arith.select %parallel_loop3A_263, %parallel_loop3A_265, %parallel_loop3A_244 : i32
      %parallel_loop3A_267 = arith.constant 16 : i32
      %parallel_loop3A_268 = arith.muli %parallel_loop3A_242, %parallel_loop3A_267 : i32
      %parallel_loop3A_269 = arith.constant 384 : i32
      %parallel_loop3A_270 = arith.muli %parallel_loop3A_266, %parallel_loop3A_269 : i32
      %parallel_loop3A_271 = arith.subi %parallel_loop3A_268, %parallel_loop3A_270 : i32
      %parallel_loop3A_272 = tpu.assume_multiple %parallel_loop3A_271, 16 : i32
      %parallel_loop3A_273 = arith.index_cast %parallel_loop3A_266 : i32 to index
      %parallel_loop3A_274 = arith.index_cast %parallel_loop3A_272 : i32 to index
      %parallel_loop3A_275 = tpu.vector_load %arg11[%parallel_loop3A_273, %parallel_loop3A_274] {strides = array<i32>} : memref<32x384xf32, #tpu.memory_space<vmem>>, vector<16xf32>,
      %parallel_loop3A_276 = arith.index_cast %parallel_loop3A_266 : i32 to index
      %parallel_loop3A_277 = arith.index_cast %parallel_loop3A_272 : i32 to index
      %parallel_loop3A_278 = tpu.vector_load %arg13[%parallel_loop3A_276, %parallel_loop3A_277] {strides = array<i32>} : memref<32x384xf32, #tpu.memory_space<vmem>>, vector<16xf32>,
      %parallel_loop3A_279 = arith.index_cast %parallel_loop3A_266 : i32 to index
      %parallel_loop3A_280 = arith.index_cast %parallel_loop3A_272 : i32 to index
      %parallel_loop3A_281 = tpu.vector_load %arg15[%parallel_loop3A_279, %parallel_loop3A_280] {strides = array<i32>} : memref<32x384xf32, #tpu.memory_space<vmem>>, vector<16xf32>,
      %parallel_loop3A_282 = math.absf %parallel_loop3A_278 : vector<16xf32>
      %parallel_loop3A_283 = tpu.bitcast %parallel_loop3A_282 : vector<16xf32> -> vector<16xi32>
      %parallel_loop3A_284 = arith.sitofp %parallel_loop3A_283 : vector<16xi32> to vector<16xf32>
      %parallel_loop3A_285 = arith.mulf %parallel_loop3A_284, %get3A_87 : vector<16xf32>
      %parallel_loop3A_286 = arith.addf %parallel_loop3A_285, %get3A_89 : vector<16xf32>
      %parallel_loop3A_287 = arith.fptosi %parallel_loop3A_286 : vector<16xf32> to vector<16xi32>
      %parallel_loop3A_288 = arith.constant 0 : i32
      %parallel_loop3A_289 = arith.constant 62 : i32
      %parallel_loop3A_290 = vector.broadcast %parallel_loop3A_288 : i32 to vector<16xi32>
      %parallel_loop3A_291 = arith.maxsi %parallel_loop3A_290, %parallel_loop3A_287 : vector<16xi32>
      %parallel_loop3A_292 = vector.broadcast %parallel_loop3A_289 : i32 to vector<16xi32>
      %parallel_loop3A_293 = arith.minsi %parallel_loop3A_292, %parallel_loop3A_291 : vector<16xi32>
      %parallel_loop3A_294 = tpu.vector_load_idx %arg7[%parallel_loop3A_293] : memref<80xf32, #tpu.memory_space<vmem>>[vector<16xi32>], vector<16xf32>,
      %parallel_loop3A_295 = tpu.vector_load_idx %arg8[%parallel_loop3A_293] : memref<80xf32, #tpu.memory_space<vmem>>[vector<16xi32>], vector<16xf32>,
      %parallel_loop3A_296 = tpu.vector_load_idx %arg9[%parallel_loop3A_293] : memref<80xf32, #tpu.memory_space<vmem>>[vector<16xi32>], vector<16xf32>,
      %parallel_loop3A_297 = arith.subf %parallel_loop3A_282, %parallel_loop3A_294 : vector<16xf32>
      %parallel_loop3A_298 = arith.subf %parallel_loop3A_282, %parallel_loop3A_295 : vector<16xf32>
      %parallel_loop3A_299 = arith.subf %parallel_loop3A_282, %parallel_loop3A_296 : vector<16xf32>
      %parallel_loop3A_300 = arith.addf %parallel_loop3A_297, %parallel_loop3A_298 : vector<16xf32>
      %parallel_loop3A_301 = arith.constant 0.000000e+00 : f32
      %parallel_loop3A_302 = vector.broadcast %parallel_loop3A_301 : f32 to vector<16xf32>
      %parallel_loop3A_303 = arith.cmpf ogt, %parallel_loop3A_300, %parallel_loop3A_302 : vector<16xf32>
      %parallel_loop3A_304 = arith.select %parallel_loop3A_303, %parallel_loop3A_295, %parallel_loop3A_294 : vector<16xi1>, vector<16xf32>
      %parallel_loop3A_305 = arith.addf %parallel_loop3A_298, %parallel_loop3A_299 : vector<16xf32>
      %parallel_loop3A_306 = arith.constant 0.000000e+00 : f32
      %parallel_loop3A_307 = vector.broadcast %parallel_loop3A_306 : f32 to vector<16xf32>
      %parallel_loop3A_308 = arith.cmpf ogt, %parallel_loop3A_305, %parallel_loop3A_307 : vector<16xf32>
      %parallel_loop3A_309 = arith.select %parallel_loop3A_308, %parallel_loop3A_296, %parallel_loop3A_304 : vector<16xi1>, vector<16xf32>
      %parallel_loop3A_310 = arith.subf %parallel_loop3A_275, %parallel_loop3A_281 : vector<16xf32>
      %parallel_loop3A_311 = arith.divf %parallel_loop3A_310, %parallel_loop3A_309 : vector<16xf32>
      %parallel_loop3A_312 = arith.constant 0x4B400000 : f32
      %parallel_loop3A_313 = vector.broadcast %parallel_loop3A_312 : f32 to vector<16xf32>
      %parallel_loop3A_314 = arith.addf %parallel_loop3A_311, %parallel_loop3A_313 : vector<16xf32>
      %parallel_loop3A_315 = arith.constant 0x4B400000 : f32
      %parallel_loop3A_316 = vector.broadcast %parallel_loop3A_315 : f32 to vector<16xf32>
      %parallel_loop3A_317 = arith.subf %parallel_loop3A_314, %parallel_loop3A_316 : vector<16xf32>
      %parallel_loop3A_318 = arith.mulf %parallel_loop3A_317, %parallel_loop3A_309 : vector<16xf32>
      %parallel_loop3A_319 = arith.addf %parallel_loop3A_318, %parallel_loop3A_281 : vector<16xf32>
      %parallel_loop3A_320 = arith.index_cast %parallel_loop3A_266 : i32 to index
      %parallel_loop3A_321 = arith.index_cast %parallel_loop3A_272 : i32 to index
      %parallel_loop3A_322 = tpu.vector_load %arg17[%parallel_loop3A_320, %parallel_loop3A_321] {strides = array<i32>} : memref<32x384xf32, #tpu.memory_space<vmem>>, vector<16xf32>,
      tpu.vector_store %arg17[%parallel_loop3A_320, %parallel_loop3A_321], %parallel_loop3A_319 {strides = array<i32>} : memref<32x384xf32, #tpu.memory_space<vmem>>, vector<16xf32>,
    } {sc.loop_unroll_factor = 8 : i64, sc.parallel_access}
    %add3A_134 = arith.constant 0 : i32
    %add3A_135 = arith.addi %mul3A_32, %add3A_134 : i32
    %dma_start3A_136 = arith.constant 0 : i32
    %dma_start3A_137 = tpu.memref_slice %arg6[%select_n3A, %add3A_135, %dma_start3A_136] : memref<8x384x384xf32, #tpu.memory_space<hbm>> -> memref<1x32x384xf32, #tpu.memory_space<hbm>>
    %dma_start3A_138 = tpu.memref_squeeze %dma_start3A_137 : memref<1x32x384xf32, #tpu.memory_space<hbm>> -> memref<32x384xf32, #tpu.memory_space<hbm>>
    %dma_start3A_139 = arith.constant 0 : i32
    %dma_start3A_140 = tpu.memref_slice %arg6[%select_n3A, %add3A_135, %dma_start3A_139] : memref<8x384x384xf32, #tpu.memory_space<hbm>> -> memref<1x32x384xf32, #tpu.memory_space<hbm>>
    %dma_start3A_141 = tpu.memref_squeeze %dma_start3A_140 : memref<1x32x384xf32, #tpu.memory_space<hbm>> -> memref<32x384xf32, #tpu.memory_space<hbm>>
    tpu.enqueue_dma source(%arg17 : memref<32x384xf32, #tpu.memory_space<vmem>>) target(%dma_start3A_141 : memref<32x384xf32, #tpu.memory_space<hbm>>) target_semaphore(%arg21 : memref<!tpu.dma_semaphore, #tpu.memory_space<semaphore_mem>>)
    %add3A_142 = arith.constant 64 : i32
    %add3A_143 = arith.addi %mul3A_32, %add3A_142 : i32
    %dma_start3A_144 = arith.constant 0 : i32
    %dma_start3A_145 = tpu.memref_slice %arg2[%select_n3A, %add3A_143, %dma_start3A_144] : memref<8x384x384xf32, #tpu.memory_space<hbm>> -> memref<1x32x384xf32, #tpu.memory_space<hbm>>
    %dma_start3A_146 = tpu.memref_squeeze %dma_start3A_145 : memref<1x32x384xf32, #tpu.memory_space<hbm>> -> memref<32x384xf32, #tpu.memory_space<hbm>>
    %dma_start3A_147 = arith.constant 0 : i32
    %dma_start3A_148 = tpu.memref_slice %arg2[%select_n3A, %add3A_143, %dma_start3A_147] : memref<8x384x384xf32, #tpu.memory_space<hbm>> -> memref<1x32x384xf32, #tpu.memory_space<hbm>>
    %dma_start3A_149 = tpu.memref_squeeze %dma_start3A_148 : memref<1x32x384xf32, #tpu.memory_space<hbm>> -> memref<32x384xf32, #tpu.memory_space<hbm>>
    tpu.enqueue_dma source(%dma_start3A_149 : memref<32x384xf32, #tpu.memory_space<hbm>>) target(%arg11 : memref<32x384xf32, #tpu.memory_space<vmem>>) target_semaphore(%arg19 : memref<!tpu.dma_semaphore, #tpu.memory_space<semaphore_mem>>)
    %add3A_150 = arith.constant 64 : i32
    %add3A_151 = arith.addi %mul3A_32, %add3A_150 : i32
    %dma_start3A_152 = arith.constant 0 : i32
    %dma_start3A_153 = tpu.memref_slice %arg3[%select_n3A, %add3A_151, %dma_start3A_152] : memref<8x384x384xf32, #tpu.memory_space<hbm>> -> memref<1x32x384xf32, #tpu.memory_space<hbm>>
    %dma_start3A_154 = tpu.memref_squeeze %dma_start3A_153 : memref<1x32x384xf32, #tpu.memory_space<hbm>> -> memref<32x384xf32, #tpu.memory_space<hbm>>
    %dma_start3A_155 = arith.constant 0 : i32
    %dma_start3A_156 = tpu.memref_slice %arg3[%select_n3A, %add3A_151, %dma_start3A_155] : memref<8x384x384xf32, #tpu.memory_space<hbm>> -> memref<1x32x384xf32, #tpu.memory_space<hbm>>
    %dma_start3A_157 = tpu.memref_squeeze %dma_start3A_156 : memref<1x32x384xf32, #tpu.memory_space<hbm>> -> memref<32x384xf32, #tpu.memory_space<hbm>>
    tpu.enqueue_dma source(%dma_start3A_157 : memref<32x384xf32, #tpu.memory_space<hbm>>) target(%arg13 : memref<32x384xf32, #tpu.memory_space<vmem>>) target_semaphore(%arg19 : memref<!tpu.dma_semaphore, #tpu.memory_space<semaphore_mem>>)
    %add3A_158 = arith.constant 64 : i32
    %add3A_159 = arith.addi %mul3A_32, %add3A_158 : i32
    %dma_start3A_160 = arith.constant 0 : i32
    %dma_start3A_161 = tpu.memref_slice %arg4[%select_n3A, %add3A_159, %dma_start3A_160] : memref<8x384x384xf32, #tpu.memory_space<hbm>> -> memref<1x32x384xf32, #tpu.memory_space<hbm>>
    %dma_start3A_162 = tpu.memref_squeeze %dma_start3A_161 : memref<1x32x384xf32, #tpu.memory_space<hbm>> -> memref<32x384xf32, #tpu.memory_space<hbm>>
    %dma_start3A_163 = arith.constant 0 : i32
    %dma_start3A_164 = tpu.memref_slice %arg4[%select_n3A, %add3A_159, %dma_start3A_163] : memref<8x384x384xf32, #tpu.memory_space<hbm>> -> memref<1x32x384xf32, #tpu.memory_space<hbm>>
    %dma_start3A_165 = tpu.memref_squeeze %dma_start3A_164 : memref<1x32x384xf32, #tpu.memory_space<hbm>> -> memref<32x384xf32, #tpu.memory_space<hbm>>
    tpu.enqueue_dma source(%dma_start3A_165 : memref<32x384xf32, #tpu.memory_space<hbm>>) target(%arg15 : memref<32x384xf32, #tpu.memory_space<vmem>>) target_semaphore(%arg19 : memref<!tpu.dma_semaphore, #tpu.memory_space<semaphore_mem>>)
    %dma_wait3A_166 = arith.constant 0 : i32
    %dma_wait3A_167 = tpu.memref_slice %arg2[%select_n3A, %add3A_91, %dma_wait3A_166] : memref<8x384x384xf32, #tpu.memory_space<hbm>> -> memref<1x32x384xf32, #tpu.memory_space<hbm>>
    %dma_wait3A_168 = tpu.memref_squeeze %dma_wait3A_167 : memref<1x32x384xf32, #tpu.memory_space<hbm>> -> memref<32x384xf32, #tpu.memory_space<hbm>>
    %dma_wait3A_169 = arith.constant 0 : i32
    %dma_wait3A_170 = tpu.memref_slice %arg2[%select_n3A, %add3A_91, %dma_wait3A_169] : memref<8x384x384xf32, #tpu.memory_space<hbm>> -> memref<1x32x384xf32, #tpu.memory_space<hbm>>
    %dma_wait3A_171 = tpu.memref_squeeze %dma_wait3A_170 : memref<1x32x384xf32, #tpu.memory_space<hbm>> -> memref<32x384xf32, #tpu.memory_space<hbm>>
    tpu.wait_dma2 semaphore(%arg20 : memref<!tpu.dma_semaphore, #tpu.memory_space<semaphore_mem>>) src(%dma_wait3A_171 : memref<32x384xf32, #tpu.memory_space<hbm>>) dst(%arg12 : memref<32x384xf32, #tpu.memory_space<vmem>>)
    %dma_wait3A_172 = arith.constant 0 : i32
    %dma_wait3A_173 = tpu.memref_slice %arg3[%select_n3A, %add3A_99, %dma_wait3A_172] : memref<8x384x384xf32, #tpu.memory_space<hbm>> -> memref<1x32x384xf32, #tpu.memory_space<hbm>>
    %dma_wait3A_174 = tpu.memref_squeeze %dma_wait3A_173 : memref<1x32x384xf32, #tpu.memory_space<hbm>> -> memref<32x384xf32, #tpu.memory_space<hbm>>
    %dma_wait3A_175 = arith.constant 0 : i32
    %dma_wait3A_176 = tpu.memref_slice %arg3[%select_n3A, %add3A_99, %dma_wait3A_175] : memref<8x384x384xf32, #tpu.memory_space<hbm>> -> memref<1x32x384xf32, #tpu.memory_space<hbm>>
    %dma_wait3A_177 = tpu.memref_squeeze %dma_wait3A_176 : memref<1x32x384xf32, #tpu.memory_space<hbm>> -> memref<32x384xf32, #tpu.memory_space<hbm>>
    tpu.wait_dma2 semaphore(%arg20 : memref<!tpu.dma_semaphore, #tpu.memory_space<semaphore_mem>>) src(%dma_wait3A_177 : memref<32x384xf32, #tpu.memory_space<hbm>>) dst(%arg14 : memref<32x384xf32, #tpu.memory_space<vmem>>)
    %dma_wait3A_178 = arith.constant 0 : i32
    %dma_wait3A_179 = tpu.memref_slice %arg4[%select_n3A, %add3A_107, %dma_wait3A_178] : memref<8x384x384xf32, #tpu.memory_space<hbm>> -> memref<1x32x384xf32, #tpu.memory_space<hbm>>
    %dma_wait3A_180 = tpu.memref_squeeze %dma_wait3A_179 : memref<1x32x384xf32, #tpu.memory_space<hbm>> -> memref<32x384xf32, #tpu.memory_space<hbm>>
    %dma_wait3A_181 = arith.constant 0 : i32
    %dma_wait3A_182 = tpu.memref_slice %arg4[%select_n3A, %add3A_107, %dma_wait3A_181] : memref<8x384x384xf32, #tpu.memory_space<hbm>> -> memref<1x32x384xf32, #tpu.memory_space<hbm>>
    %dma_wait3A_183 = tpu.memref_squeeze %dma_wait3A_182 : memref<1x32x384xf32, #tpu.memory_space<hbm>> -> memref<32x384xf32, #tpu.memory_space<hbm>>
    tpu.wait_dma2 semaphore(%arg20 : memref<!tpu.dma_semaphore, #tpu.memory_space<semaphore_mem>>) src(%dma_wait3A_183 : memref<32x384xf32, #tpu.memory_space<hbm>>) dst(%arg16 : memref<32x384xf32, #tpu.memory_space<vmem>>)
    %parallel_loop3A_184 = arith.constant 0 : i32
    %parallel_loop3A_185 = arith.constant 768 : i32
    %parallel_loop3A_186 = arith.constant 1 : i32
    scf.for %parallel_loop3A_242 = %parallel_loop3A_184 to %parallel_loop3A_185 step %parallel_loop3A_186  : i32 {
      %parallel_loop3A_243 = arith.constant 24 : i32
      %parallel_loop3A_244 = arith.divsi %parallel_loop3A_242, %parallel_loop3A_243 : i32
      %parallel_loop3A_245 = arith.constant 0 : i32
      %parallel_loop3A_246 = arith.cmpi sgt, %parallel_loop3A_242, %parallel_loop3A_245 : i32
      %parallel_loop3A_247 = arith.extui %parallel_loop3A_246 : i1 to i32
      %parallel_loop3A_248 = arith.constant 0 : i32
      %parallel_loop3A_249 = arith.cmpi slt, %parallel_loop3A_242, %parallel_loop3A_248 : i32
      %parallel_loop3A_250 = arith.extui %parallel_loop3A_249 : i1 to i32
      %parallel_loop3A_251 = arith.subi %parallel_loop3A_247, %parallel_loop3A_250 : i32
      %parallel_loop3A_252 = arith.constant 0 : i32
      %parallel_loop3A_253 = arith.cmpi sgt, %parallel_loop3A_243, %parallel_loop3A_252 : i32
      %parallel_loop3A_254 = arith.extui %parallel_loop3A_253 : i1 to i32
      %parallel_loop3A_255 = arith.constant 0 : i32
      %parallel_loop3A_256 = arith.cmpi slt, %parallel_loop3A_243, %parallel_loop3A_255 : i32
      %parallel_loop3A_257 = arith.extui %parallel_loop3A_256 : i1 to i32
      %parallel_loop3A_258 = arith.subi %parallel_loop3A_254, %parallel_loop3A_257 : i32
      %parallel_loop3A_259 = arith.cmpi ne, %parallel_loop3A_251, %parallel_loop3A_258 : i32
      %parallel_loop3A_260 = arith.remsi %parallel_loop3A_242, %parallel_loop3A_243 : i32
      %parallel_loop3A_261 = arith.constant 0 : i32
      %parallel_loop3A_262 = arith.cmpi ne, %parallel_loop3A_260, %parallel_loop3A_261 : i32
      %parallel_loop3A_263 = arith.andi %parallel_loop3A_259, %parallel_loop3A_262 : i1
      %parallel_loop3A_264 = arith.constant 1 : i32
      %parallel_loop3A_265 = arith.subi %parallel_loop3A_244, %parallel_loop3A_264 : i32
      %parallel_loop3A_266 = arith.select %parallel_loop3A_263, %parallel_loop3A_265, %parallel_loop3A_244 : i32
      %parallel_loop3A_267 = arith.constant 16 : i32
      %parallel_loop3A_268 = arith.muli %parallel_loop3A_242, %parallel_loop3A_267 : i32
      %parallel_loop3A_269 = arith.constant 384 : i32
      %parallel_loop3A_270 = arith.muli %parallel_loop3A_266, %parallel_loop3A_269 : i32
      %parallel_loop3A_271 = arith.subi %parallel_loop3A_268, %parallel_loop3A_270 : i32
      %parallel_loop3A_272 = tpu.assume_multiple %parallel_loop3A_271, 16 : i32
      %parallel_loop3A_273 = arith.index_cast %parallel_loop3A_266 : i32 to index
      %parallel_loop3A_274 = arith.index_cast %parallel_loop3A_272 : i32 to index
      %parallel_loop3A_275 = tpu.vector_load %arg12[%parallel_loop3A_273, %parallel_loop3A_274] {strides = array<i32>} : memref<32x384xf32, #tpu.memory_space<vmem>>, vector<16xf32>,
      %parallel_loop3A_276 = arith.index_cast %parallel_loop3A_266 : i32 to index
      %parallel_loop3A_277 = arith.index_cast %parallel_loop3A_272 : i32 to index
      %parallel_loop3A_278 = tpu.vector_load %arg14[%parallel_loop3A_276, %parallel_loop3A_277] {strides = array<i32>} : memref<32x384xf32, #tpu.memory_space<vmem>>, vector<16xf32>,
      %parallel_loop3A_279 = arith.index_cast %parallel_loop3A_266 : i32 to index
      %parallel_loop3A_280 = arith.index_cast %parallel_loop3A_272 : i32 to index
      %parallel_loop3A_281 = tpu.vector_load %arg16[%parallel_loop3A_279, %parallel_loop3A_280] {strides = array<i32>} : memref<32x384xf32, #tpu.memory_space<vmem>>, vector<16xf32>,
      %parallel_loop3A_282 = math.absf %parallel_loop3A_278 : vector<16xf32>
      %parallel_loop3A_283 = tpu.bitcast %parallel_loop3A_282 : vector<16xf32> -> vector<16xi32>
      %parallel_loop3A_284 = arith.sitofp %parallel_loop3A_283 : vector<16xi32> to vector<16xf32>
      %parallel_loop3A_285 = arith.mulf %parallel_loop3A_284, %get3A_87 : vector<16xf32>
      %parallel_loop3A_286 = arith.addf %parallel_loop3A_285, %get3A_89 : vector<16xf32>
      %parallel_loop3A_287 = arith.fptosi %parallel_loop3A_286 : vector<16xf32> to vector<16xi32>
      %parallel_loop3A_288 = arith.constant 0 : i32
      %parallel_loop3A_289 = arith.constant 62 : i32
      %parallel_loop3A_290 = vector.broadcast %parallel_loop3A_288 : i32 to vector<16xi32>
      %parallel_loop3A_291 = arith.maxsi %parallel_loop3A_290, %parallel_loop3A_287 : vector<16xi32>
      %parallel_loop3A_292 = vector.broadcast %parallel_loop3A_289 : i32 to vector<16xi32>
      %parallel_loop3A_293 = arith.minsi %parallel_loop3A_292, %parallel_loop3A_291 : vector<16xi32>
      %parallel_loop3A_294 = tpu.vector_load_idx %arg7[%parallel_loop3A_293] : memref<80xf32, #tpu.memory_space<vmem>>[vector<16xi32>], vector<16xf32>,
      %parallel_loop3A_295 = tpu.vector_load_idx %arg8[%parallel_loop3A_293] : memref<80xf32, #tpu.memory_space<vmem>>[vector<16xi32>], vector<16xf32>,
      %parallel_loop3A_296 = tpu.vector_load_idx %arg9[%parallel_loop3A_293] : memref<80xf32, #tpu.memory_space<vmem>>[vector<16xi32>], vector<16xf32>,
      %parallel_loop3A_297 = arith.subf %parallel_loop3A_282, %parallel_loop3A_294 : vector<16xf32>
      %parallel_loop3A_298 = arith.subf %parallel_loop3A_282, %parallel_loop3A_295 : vector<16xf32>
      %parallel_loop3A_299 = arith.subf %parallel_loop3A_282, %parallel_loop3A_296 : vector<16xf32>
      %parallel_loop3A_300 = arith.addf %parallel_loop3A_297, %parallel_loop3A_298 : vector<16xf32>
      %parallel_loop3A_301 = arith.constant 0.000000e+00 : f32
      %parallel_loop3A_302 = vector.broadcast %parallel_loop3A_301 : f32 to vector<16xf32>
      %parallel_loop3A_303 = arith.cmpf ogt, %parallel_loop3A_300, %parallel_loop3A_302 : vector<16xf32>
      %parallel_loop3A_304 = arith.select %parallel_loop3A_303, %parallel_loop3A_295, %parallel_loop3A_294 : vector<16xi1>, vector<16xf32>
      %parallel_loop3A_305 = arith.addf %parallel_loop3A_298, %parallel_loop3A_299 : vector<16xf32>
      %parallel_loop3A_306 = arith.constant 0.000000e+00 : f32
      %parallel_loop3A_307 = vector.broadcast %parallel_loop3A_306 : f32 to vector<16xf32>
      %parallel_loop3A_308 = arith.cmpf ogt, %parallel_loop3A_305, %parallel_loop3A_307 : vector<16xf32>
      %parallel_loop3A_309 = arith.select %parallel_loop3A_308, %parallel_loop3A_296, %parallel_loop3A_304 : vector<16xi1>, vector<16xf32>
      %parallel_loop3A_310 = arith.subf %parallel_loop3A_275, %parallel_loop3A_281 : vector<16xf32>
      %parallel_loop3A_311 = arith.divf %parallel_loop3A_310, %parallel_loop3A_309 : vector<16xf32>
      %parallel_loop3A_312 = arith.constant 0x4B400000 : f32
      %parallel_loop3A_313 = vector.broadcast %parallel_loop3A_312 : f32 to vector<16xf32>
      %parallel_loop3A_314 = arith.addf %parallel_loop3A_311, %parallel_loop3A_313 : vector<16xf32>
      %parallel_loop3A_315 = arith.constant 0x4B400000 : f32
      %parallel_loop3A_316 = vector.broadcast %parallel_loop3A_315 : f32 to vector<16xf32>
      %parallel_loop3A_317 = arith.subf %parallel_loop3A_314, %parallel_loop3A_316 : vector<16xf32>
      %parallel_loop3A_318 = arith.mulf %parallel_loop3A_317, %parallel_loop3A_309 : vector<16xf32>
      %parallel_loop3A_319 = arith.addf %parallel_loop3A_318, %parallel_loop3A_281 : vector<16xf32>
      %parallel_loop3A_320 = arith.index_cast %parallel_loop3A_266 : i32 to index
      %parallel_loop3A_321 = arith.index_cast %parallel_loop3A_272 : i32 to index
      %parallel_loop3A_322 = tpu.vector_load %arg18[%parallel_loop3A_320, %parallel_loop3A_321] {strides = array<i32>} : memref<32x384xf32, #tpu.memory_space<vmem>>, vector<16xf32>,
      tpu.vector_store %arg18[%parallel_loop3A_320, %parallel_loop3A_321], %parallel_loop3A_319 {strides = array<i32>} : memref<32x384xf32, #tpu.memory_space<vmem>>, vector<16xf32>,
    } {sc.loop_unroll_factor = 8 : i64, sc.parallel_access}
    %add3A_187 = arith.constant 32 : i32
    %add3A_188 = arith.addi %mul3A_32, %add3A_187 : i32
    %dma_start3A_189 = arith.constant 0 : i32
    %dma_start3A_190 = tpu.memref_slice %arg6[%select_n3A, %add3A_188, %dma_start3A_189] : memref<8x384x384xf32, #tpu.memory_space<hbm>> -> memref<1x32x384xf32, #tpu.memory_space<hbm>>
    %dma_start3A_191 = tpu.memref_squeeze %dma_start3A_190 : memref<1x32x384xf32, #tpu.memory_space<hbm>> -> memref<32x384xf32, #tpu.memory_space<hbm>>
    %dma_start3A_192 = arith.constant 0 : i32
    %dma_start3A_193 = tpu.memref_slice %arg6[%select_n3A, %add3A_188, %dma_start3A_192] : memref<8x384x384xf32, #tpu.memory_space<hbm>> -> memref<1x32x384xf32, #tpu.memory_space<hbm>>
    %dma_start3A_194 = tpu.memref_squeeze %dma_start3A_193 : memref<1x32x384xf32, #tpu.memory_space<hbm>> -> memref<32x384xf32, #tpu.memory_space<hbm>>
    tpu.enqueue_dma source(%arg18 : memref<32x384xf32, #tpu.memory_space<vmem>>) target(%dma_start3A_194 : memref<32x384xf32, #tpu.memory_space<hbm>>) target_semaphore(%arg22 : memref<!tpu.dma_semaphore, #tpu.memory_space<semaphore_mem>>)
    %dma_wait3A_195 = arith.constant 0 : i32
    %dma_wait3A_196 = tpu.memref_slice %arg2[%select_n3A, %add3A_143, %dma_wait3A_195] : memref<8x384x384xf32, #tpu.memory_space<hbm>> -> memref<1x32x384xf32, #tpu.memory_space<hbm>>
    %dma_wait3A_197 = tpu.memref_squeeze %dma_wait3A_196 : memref<1x32x384xf32, #tpu.memory_space<hbm>> -> memref<32x384xf32, #tpu.memory_space<hbm>>
    %dma_wait3A_198 = arith.constant 0 : i32
    %dma_wait3A_199 = tpu.memref_slice %arg2[%select_n3A, %add3A_143, %dma_wait3A_198] : memref<8x384x384xf32, #tpu.memory_space<hbm>> -> memref<1x32x384xf32, #tpu.memory_space<hbm>>
    %dma_wait3A_200 = tpu.memref_squeeze %dma_wait3A_199 : memref<1x32x384xf32, #tpu.memory_space<hbm>> -> memref<32x384xf32, #tpu.memory_space<hbm>>
    tpu.wait_dma2 semaphore(%arg19 : memref<!tpu.dma_semaphore, #tpu.memory_space<semaphore_mem>>) src(%dma_wait3A_200 : memref<32x384xf32, #tpu.memory_space<hbm>>) dst(%arg11 : memref<32x384xf32, #tpu.memory_space<vmem>>)
    %dma_wait3A_201 = arith.constant 0 : i32
    %dma_wait3A_202 = tpu.memref_slice %arg3[%select_n3A, %add3A_151, %dma_wait3A_201] : memref<8x384x384xf32, #tpu.memory_space<hbm>> -> memref<1x32x384xf32, #tpu.memory_space<hbm>>
    %dma_wait3A_203 = tpu.memref_squeeze %dma_wait3A_202 : memref<1x32x384xf32, #tpu.memory_space<hbm>> -> memref<32x384xf32, #tpu.memory_space<hbm>>
    %dma_wait3A_204 = arith.constant 0 : i32
    %dma_wait3A_205 = tpu.memref_slice %arg3[%select_n3A, %add3A_151, %dma_wait3A_204] : memref<8x384x384xf32, #tpu.memory_space<hbm>> -> memref<1x32x384xf32, #tpu.memory_space<hbm>>
    %dma_wait3A_206 = tpu.memref_squeeze %dma_wait3A_205 : memref<1x32x384xf32, #tpu.memory_space<hbm>> -> memref<32x384xf32, #tpu.memory_space<hbm>>
    tpu.wait_dma2 semaphore(%arg19 : memref<!tpu.dma_semaphore, #tpu.memory_space<semaphore_mem>>) src(%dma_wait3A_206 : memref<32x384xf32, #tpu.memory_space<hbm>>) dst(%arg13 : memref<32x384xf32, #tpu.memory_space<vmem>>)
    %dma_wait3A_207 = arith.constant 0 : i32
    %dma_wait3A_208 = tpu.memref_slice %arg4[%select_n3A, %add3A_159, %dma_wait3A_207] : memref<8x384x384xf32, #tpu.memory_space<hbm>> -> memref<1x32x384xf32, #tpu.memory_space<hbm>>
    %dma_wait3A_209 = tpu.memref_squeeze %dma_wait3A_208 : memref<1x32x384xf32, #tpu.memory_space<hbm>> -> memref<32x384xf32, #tpu.memory_space<hbm>>
    %dma_wait3A_210 = arith.constant 0 : i32
    %dma_wait3A_211 = tpu.memref_slice %arg4[%select_n3A, %add3A_159, %dma_wait3A_210] : memref<8x384x384xf32, #tpu.memory_space<hbm>> -> memref<1x32x384xf32, #tpu.memory_space<hbm>>
    %dma_wait3A_212 = tpu.memref_squeeze %dma_wait3A_211 : memref<1x32x384xf32, #tpu.memory_space<hbm>> -> memref<32x384xf32, #tpu.memory_space<hbm>>
    tpu.wait_dma2 semaphore(%arg19 : memref<!tpu.dma_semaphore, #tpu.memory_space<semaphore_mem>>) src(%dma_wait3A_212 : memref<32x384xf32, #tpu.memory_space<hbm>>) dst(%arg15 : memref<32x384xf32, #tpu.memory_space<vmem>>)
    %dma_wait3A_213 = arith.constant 0 : i32
    %dma_wait3A_214 = tpu.memref_slice %arg6[%select_n3A, %add3A_135, %dma_wait3A_213] : memref<8x384x384xf32, #tpu.memory_space<hbm>> -> memref<1x32x384xf32, #tpu.memory_space<hbm>>
    %dma_wait3A_215 = tpu.memref_squeeze %dma_wait3A_214 : memref<1x32x384xf32, #tpu.memory_space<hbm>> -> memref<32x384xf32, #tpu.memory_space<hbm>>
    %dma_wait3A_216 = arith.constant 0 : i32
    %dma_wait3A_217 = tpu.memref_slice %arg6[%select_n3A, %add3A_135, %dma_wait3A_216] : memref<8x384x384xf32, #tpu.memory_space<hbm>> -> memref<1x32x384xf32, #tpu.memory_space<hbm>>
    %dma_wait3A_218 = tpu.memref_squeeze %dma_wait3A_217 : memref<1x32x384xf32, #tpu.memory_space<hbm>> -> memref<32x384xf32, #tpu.memory_space<hbm>>
    tpu.wait_dma2 semaphore(%arg21 : memref<!tpu.dma_semaphore, #tpu.memory_space<semaphore_mem>>) src(%arg17 : memref<32x384xf32, #tpu.memory_space<vmem>>) dst(%dma_wait3A_218 : memref<32x384xf32, #tpu.memory_space<hbm>>)
    %parallel_loop3A_219 = arith.constant 0 : i32
    %parallel_loop3A_220 = arith.constant 768 : i32
    %parallel_loop3A_221 = arith.constant 1 : i32
    scf.for %parallel_loop3A_242 = %parallel_loop3A_219 to %parallel_loop3A_220 step %parallel_loop3A_221  : i32 {
      %parallel_loop3A_243 = arith.constant 24 : i32
      %parallel_loop3A_244 = arith.divsi %parallel_loop3A_242, %parallel_loop3A_243 : i32
      %parallel_loop3A_245 = arith.constant 0 : i32
      %parallel_loop3A_246 = arith.cmpi sgt, %parallel_loop3A_242, %parallel_loop3A_245 : i32
      %parallel_loop3A_247 = arith.extui %parallel_loop3A_246 : i1 to i32
      %parallel_loop3A_248 = arith.constant 0 : i32
      %parallel_loop3A_249 = arith.cmpi slt, %parallel_loop3A_242, %parallel_loop3A_248 : i32
      %parallel_loop3A_250 = arith.extui %parallel_loop3A_249 : i1 to i32
      %parallel_loop3A_251 = arith.subi %parallel_loop3A_247, %parallel_loop3A_250 : i32
      %parallel_loop3A_252 = arith.constant 0 : i32
      %parallel_loop3A_253 = arith.cmpi sgt, %parallel_loop3A_243, %parallel_loop3A_252 : i32
      %parallel_loop3A_254 = arith.extui %parallel_loop3A_253 : i1 to i32
      %parallel_loop3A_255 = arith.constant 0 : i32
      %parallel_loop3A_256 = arith.cmpi slt, %parallel_loop3A_243, %parallel_loop3A_255 : i32
      %parallel_loop3A_257 = arith.extui %parallel_loop3A_256 : i1 to i32
      %parallel_loop3A_258 = arith.subi %parallel_loop3A_254, %parallel_loop3A_257 : i32
      %parallel_loop3A_259 = arith.cmpi ne, %parallel_loop3A_251, %parallel_loop3A_258 : i32
      %parallel_loop3A_260 = arith.remsi %parallel_loop3A_242, %parallel_loop3A_243 : i32
      %parallel_loop3A_261 = arith.constant 0 : i32
      %parallel_loop3A_262 = arith.cmpi ne, %parallel_loop3A_260, %parallel_loop3A_261 : i32
      %parallel_loop3A_263 = arith.andi %parallel_loop3A_259, %parallel_loop3A_262 : i1
      %parallel_loop3A_264 = arith.constant 1 : i32
      %parallel_loop3A_265 = arith.subi %parallel_loop3A_244, %parallel_loop3A_264 : i32
      %parallel_loop3A_266 = arith.select %parallel_loop3A_263, %parallel_loop3A_265, %parallel_loop3A_244 : i32
      %parallel_loop3A_267 = arith.constant 16 : i32
      %parallel_loop3A_268 = arith.muli %parallel_loop3A_242, %parallel_loop3A_267 : i32
      %parallel_loop3A_269 = arith.constant 384 : i32
      %parallel_loop3A_270 = arith.muli %parallel_loop3A_266, %parallel_loop3A_269 : i32
      %parallel_loop3A_271 = arith.subi %parallel_loop3A_268, %parallel_loop3A_270 : i32
      %parallel_loop3A_272 = tpu.assume_multiple %parallel_loop3A_271, 16 : i32
      %parallel_loop3A_273 = arith.index_cast %parallel_loop3A_266 : i32 to index
      %parallel_loop3A_274 = arith.index_cast %parallel_loop3A_272 : i32 to index
      %parallel_loop3A_275 = tpu.vector_load %arg11[%parallel_loop3A_273, %parallel_loop3A_274] {strides = array<i32>} : memref<32x384xf32, #tpu.memory_space<vmem>>, vector<16xf32>,
      %parallel_loop3A_276 = arith.index_cast %parallel_loop3A_266 : i32 to index
      %parallel_loop3A_277 = arith.index_cast %parallel_loop3A_272 : i32 to index
      %parallel_loop3A_278 = tpu.vector_load %arg13[%parallel_loop3A_276, %parallel_loop3A_277] {strides = array<i32>} : memref<32x384xf32, #tpu.memory_space<vmem>>, vector<16xf32>,
      %parallel_loop3A_279 = arith.index_cast %parallel_loop3A_266 : i32 to index
      %parallel_loop3A_280 = arith.index_cast %parallel_loop3A_272 : i32 to index
      %parallel_loop3A_281 = tpu.vector_load %arg15[%parallel_loop3A_279, %parallel_loop3A_280] {strides = array<i32>} : memref<32x384xf32, #tpu.memory_space<vmem>>, vector<16xf32>,
      %parallel_loop3A_282 = math.absf %parallel_loop3A_278 : vector<16xf32>
      %parallel_loop3A_283 = tpu.bitcast %parallel_loop3A_282 : vector<16xf32> -> vector<16xi32>
      %parallel_loop3A_284 = arith.sitofp %parallel_loop3A_283 : vector<16xi32> to vector<16xf32>
      %parallel_loop3A_285 = arith.mulf %parallel_loop3A_284, %get3A_87 : vector<16xf32>
      %parallel_loop3A_286 = arith.addf %parallel_loop3A_285, %get3A_89 : vector<16xf32>
      %parallel_loop3A_287 = arith.fptosi %parallel_loop3A_286 : vector<16xf32> to vector<16xi32>
      %parallel_loop3A_288 = arith.constant 0 : i32
      %parallel_loop3A_289 = arith.constant 62 : i32
      %parallel_loop3A_290 = vector.broadcast %parallel_loop3A_288 : i32 to vector<16xi32>
      %parallel_loop3A_291 = arith.maxsi %parallel_loop3A_290, %parallel_loop3A_287 : vector<16xi32>
      %parallel_loop3A_292 = vector.broadcast %parallel_loop3A_289 : i32 to vector<16xi32>
      %parallel_loop3A_293 = arith.minsi %parallel_loop3A_292, %parallel_loop3A_291 : vector<16xi32>
      %parallel_loop3A_294 = tpu.vector_load_idx %arg7[%parallel_loop3A_293] : memref<80xf32, #tpu.memory_space<vmem>>[vector<16xi32>], vector<16xf32>,
      %parallel_loop3A_295 = tpu.vector_load_idx %arg8[%parallel_loop3A_293] : memref<80xf32, #tpu.memory_space<vmem>>[vector<16xi32>], vector<16xf32>,
      %parallel_loop3A_296 = tpu.vector_load_idx %arg9[%parallel_loop3A_293] : memref<80xf32, #tpu.memory_space<vmem>>[vector<16xi32>], vector<16xf32>,
      %parallel_loop3A_297 = arith.subf %parallel_loop3A_282, %parallel_loop3A_294 : vector<16xf32>
      %parallel_loop3A_298 = arith.subf %parallel_loop3A_282, %parallel_loop3A_295 : vector<16xf32>
      %parallel_loop3A_299 = arith.subf %parallel_loop3A_282, %parallel_loop3A_296 : vector<16xf32>
      %parallel_loop3A_300 = arith.addf %parallel_loop3A_297, %parallel_loop3A_298 : vector<16xf32>
      %parallel_loop3A_301 = arith.constant 0.000000e+00 : f32
      %parallel_loop3A_302 = vector.broadcast %parallel_loop3A_301 : f32 to vector<16xf32>
      %parallel_loop3A_303 = arith.cmpf ogt, %parallel_loop3A_300, %parallel_loop3A_302 : vector<16xf32>
      %parallel_loop3A_304 = arith.select %parallel_loop3A_303, %parallel_loop3A_295, %parallel_loop3A_294 : vector<16xi1>, vector<16xf32>
      %parallel_loop3A_305 = arith.addf %parallel_loop3A_298, %parallel_loop3A_299 : vector<16xf32>
      %parallel_loop3A_306 = arith.constant 0.000000e+00 : f32
      %parallel_loop3A_307 = vector.broadcast %parallel_loop3A_306 : f32 to vector<16xf32>
      %parallel_loop3A_308 = arith.cmpf ogt, %parallel_loop3A_305, %parallel_loop3A_307 : vector<16xf32>
      %parallel_loop3A_309 = arith.select %parallel_loop3A_308, %parallel_loop3A_296, %parallel_loop3A_304 : vector<16xi1>, vector<16xf32>
      %parallel_loop3A_310 = arith.subf %parallel_loop3A_275, %parallel_loop3A_281 : vector<16xf32>
      %parallel_loop3A_311 = arith.divf %parallel_loop3A_310, %parallel_loop3A_309 : vector<16xf32>
      %parallel_loop3A_312 = arith.constant 0x4B400000 : f32
      %parallel_loop3A_313 = vector.broadcast %parallel_loop3A_312 : f32 to vector<16xf32>
      %parallel_loop3A_314 = arith.addf %parallel_loop3A_311, %parallel_loop3A_313 : vector<16xf32>
      %parallel_loop3A_315 = arith.constant 0x4B400000 : f32
      %parallel_loop3A_316 = vector.broadcast %parallel_loop3A_315 : f32 to vector<16xf32>
      %parallel_loop3A_317 = arith.subf %parallel_loop3A_314, %parallel_loop3A_316 : vector<16xf32>
      %parallel_loop3A_318 = arith.mulf %parallel_loop3A_317, %parallel_loop3A_309 : vector<16xf32>
      %parallel_loop3A_319 = arith.addf %parallel_loop3A_318, %parallel_loop3A_281 : vector<16xf32>
      %parallel_loop3A_320 = arith.index_cast %parallel_loop3A_266 : i32 to index
      %parallel_loop3A_321 = arith.index_cast %parallel_loop3A_272 : i32 to index
      %parallel_loop3A_322 = tpu.vector_load %arg17[%parallel_loop3A_320, %parallel_loop3A_321] {strides = array<i32>} : memref<32x384xf32, #tpu.memory_space<vmem>>, vector<16xf32>,
      tpu.vector_store %arg17[%parallel_loop3A_320, %parallel_loop3A_321], %parallel_loop3A_319 {strides = array<i32>} : memref<32x384xf32, #tpu.memory_space<vmem>>, vector<16xf32>,
    } {sc.loop_unroll_factor = 8 : i64, sc.parallel_access}
    %add3A_222 = arith.constant 64 : i32
    %add3A_223 = arith.addi %mul3A_32, %add3A_222 : i32
    %dma_start3A_224 = arith.constant 0 : i32
    %dma_start3A_225 = tpu.memref_slice %arg6[%select_n3A, %add3A_223, %dma_start3A_224] : memref<8x384x384xf32, #tpu.memory_space<hbm>> -> memref<1x32x384xf32, #tpu.memory_space<hbm>>
    %dma_start3A_226 = tpu.memref_squeeze %dma_start3A_225 : memref<1x32x384xf32, #tpu.memory_space<hbm>> -> memref<32x384xf32, #tpu.memory_space<hbm>>
    %dma_start3A_227 = arith.constant 0 : i32
    %dma_start3A_228 = tpu.memref_slice %arg6[%select_n3A, %add3A_223, %dma_start3A_227] : memref<8x384x384xf32, #tpu.memory_space<hbm>> -> memref<1x32x384xf32, #tpu.memory_space<hbm>>
    %dma_start3A_229 = tpu.memref_squeeze %dma_start3A_228 : memref<1x32x384xf32, #tpu.memory_space<hbm>> -> memref<32x384xf32, #tpu.memory_space<hbm>>
    tpu.enqueue_dma source(%arg17 : memref<32x384xf32, #tpu.memory_space<vmem>>) target(%dma_start3A_229 : memref<32x384xf32, #tpu.memory_space<hbm>>) target_semaphore(%arg21 : memref<!tpu.dma_semaphore, #tpu.memory_space<semaphore_mem>>)
    %dma_wait3A_230 = arith.constant 0 : i32
    %dma_wait3A_231 = tpu.memref_slice %arg6[%select_n3A, %add3A_223, %dma_wait3A_230] : memref<8x384x384xf32, #tpu.memory_space<hbm>> -> memref<1x32x384xf32, #tpu.memory_space<hbm>>
    %dma_wait3A_232 = tpu.memref_squeeze %dma_wait3A_231 : memref<1x32x384xf32, #tpu.memory_space<hbm>> -> memref<32x384xf32, #tpu.memory_space<hbm>>
    %dma_wait3A_233 = arith.constant 0 : i32
    %dma_wait3A_234 = tpu.memref_slice %arg6[%select_n3A, %add3A_223, %dma_wait3A_233] : memref<8x384x384xf32, #tpu.memory_space<hbm>> -> memref<1x32x384xf32, #tpu.memory_space<hbm>>
    %dma_wait3A_235 = tpu.memref_squeeze %dma_wait3A_234 : memref<1x32x384xf32, #tpu.memory_space<hbm>> -> memref<32x384xf32, #tpu.memory_space<hbm>>
    tpu.wait_dma2 semaphore(%arg21 : memref<!tpu.dma_semaphore, #tpu.memory_space<semaphore_mem>>) src(%arg17 : memref<32x384xf32, #tpu.memory_space<vmem>>) dst(%dma_wait3A_235 : memref<32x384xf32, #tpu.memory_space<hbm>>)
    %dma_wait3A_236 = arith.constant 0 : i32
    %dma_wait3A_237 = tpu.memref_slice %arg6[%select_n3A, %add3A_188, %dma_wait3A_236] : memref<8x384x384xf32, #tpu.memory_space<hbm>> -> memref<1x32x384xf32, #tpu.memory_space<hbm>>
    %dma_wait3A_238 = tpu.memref_squeeze %dma_wait3A_237 : memref<1x32x384xf32, #tpu.memory_space<hbm>> -> memref<32x384xf32, #tpu.memory_space<hbm>>
    %dma_wait3A_239 = arith.constant 0 : i32
    %dma_wait3A_240 = tpu.memref_slice %arg6[%select_n3A, %add3A_188, %dma_wait3A_239] : memref<8x384x384xf32, #tpu.memory_space<hbm>> -> memref<1x32x384xf32, #tpu.memory_space<hbm>>
    %dma_wait3A_241 = tpu.memref_squeeze %dma_wait3A_240 : memref<1x32x384xf32, #tpu.memory_space<hbm>> -> memref<32x384xf32, #tpu.memory_space<hbm>>
    tpu.wait_dma2 semaphore(%arg22 : memref<!tpu.dma_semaphore, #tpu.memory_space<semaphore_mem>>) src(%arg18 : memref<32x384xf32, #tpu.memory_space<vmem>>) dst(%dma_wait3A_241 : memref<32x384xf32, #tpu.memory_space<hbm>>)
    return
  }
}

</mosaic_0001>

<sc_bundles>
// kernel: kernel.3.cloned.1.call-start
scs
__scs_entry_jumppad:
0x0: {  	(pc) =	sbr.rel $0x88, $3  }
0x1: {  	(tag) =	ssettag $0x0;
	lr =	simm.s32 $0x1  }
0x2: {  	[smem:$0x3F9D] =	sst lr;
	_ =	strace $0xD0000000  }
0x3: {  	_ = 	snop  }
0x4: {  	_ = 	snop  }
0x5: {  	_ = 	snop  }
0x6: {  	_ = 	snop  }
0x7: {  	_ = 	snop  }
__scs_overlays_trampoline_lowered:
0x8: {  	[smem:$0x3FAC] =	sst s0  }
0x9: {  	[smem:$0x3FAD] =	sst s1  }
0xa: {  	[smem:$0x3FAE] =	sst s2  }
0xb: {  	[smem:$0x3FAF] =	sst s3  }
0xc: {  	[smem:$0x3FB0] =	sst s4  }
0xd: {  	[smem:$0x3FB1] =	sst s5  }
0xe: {  	[smem:$0x3FB2] =	sst s6  }
0xf: {  	[smem:$0x3FB3] =	sst s7  }
0x10: {  	[smem:$0x3FB4] =	sst s8  }
0x11: {  	[smem:$0x3FB5] =	sst s9;
	s0 =	simm.s32 @!p0 $0x0  }
0x12: {  	s1 =	sld [smem:$0x3F9B];
	s0 =	simm.s32 @p0 $0x1  }
0x13: {  	[smem:$0x3FB6] =	sst s0;
	s0 =	simm.s32 @!p1 $0x0  }
0x14: {  	s2 =	sld [smem:$0x3F9A];
	s0 =	simm.s32 @p1 $0x1  }
0x15: {  	[smem:$0x3FB7] =	sst s0;
	s0 =	simm.s32 @!p2 $0x0  }
0x16: {  	s3 =	sld [smem:$0x3FDB];
	s0 =	simm.s32 @p2 $0x1  }
0x17: {  	s4 =	simm.s32 $0x1BF5;
	[smem:$0x3FB9] =	sst s0  }
0x18: {  	s0 =	sld [smem:$0x3F9C];
	_ =	swait.ge [sflag:s4], $0x0  }
0x19: {  	s7 =	sld [smem:$0x3F9D]  }
0x1a: {  	s8 =	sadd.s32 $0xFFFFE003, lr  }
0x1b: {  	s9 =	sadd.s32 $0xFFFFFEF7, lr;
	s5 =	simm.s32 $0xFFFFFFFF;
	p2 =	slt.u32 s8, $0xFFFFF086  }
0x1c: {  	p1 =	slt.u32 s9, $0xF7A;
	s5 =	simm.s32 @!p2 $0x0  }
0x1d: {  	s5 =	simm.s32 @p1 $0x1;
	p0 =	seq.s32 s7, s2  }
0x1e: {  	s7 =	smul.u32 @!p0 $0xF7A, s2;
	p2 =	seq.s32 @!p0 s5, $0x0  }
0x1f: {  	s9 =	smul.u32 $0xF7A, s1;
	s8 =	simm.s32 @!p0 $0x1BF5;
	p2 =	por !p2, p0  }
0x20: {  	[sflag:s8] =	ssyncset.s32 @!p0 $0xFFFFF086;
	s6 =	sadd.s32 @!p0 s3, s7;
	s7 =	simm.s32 @!p0 $0x108  }
0x21: {  	s3 =	sadd.s32 s3, s9;
	s6 =	sadd.s32 @!p0 $0x88, s6;
	s7 =	simm.s32 @p2 $0x1082  }
0x22: {  	[simem:s7], [sflag:s8] =	dma.local @!p0 [hbm:s6], $0xF7A  }
0x23: {  	s9 =	sor.u32 $0xD0000000, s2;
	s6 =	simm.s32 $0x108;
	_ =	swait.ge @!p0 [sflag:s8], $0x0  }
0x24: {  	s3 =	sadd.s32 $0x88, s3;
	s6 =	simm.s32 @!p1 $0x1082;
	[sflag:s4] =	ssyncset.s32 $0xFFFFF086  }
0x25: {  	[simem:s6], [sflag:s4] =	dma.local [hbm:s3], $0xF7A  }
0x26: {  	[smem:$0x3F9D] =	sst s1;
	(tag) =	ssettag s2;
	_ =	strace s9  }
0x27: {  	s1 =	sld [smem:$0x3FAD]  }
0x28: {  	s2 =	sld [smem:$0x3FAE]  }
0x29: {  	s4 =	sld [smem:$0x3FB0]  }
0x2a: {  	p0 =	seq.s32 s5, $0x0;
	s5 =	sld [smem:$0x3FB1]  }
0x2b: {  	s6 =	sld [smem:$0x3FB2]  }
0x2c: {  	s7 =	sld [smem:$0x3FB3]  }
0x2d: {  	s3 =	simm.s32 $0x108;
	s8 =	sld [smem:$0x3FB4]  }
0x2e: {  	s3 =	simm.s32 @!p0 $0x1082;
	s9 =	sld [smem:$0x3FB5]  }
0x2f: {  	lr =	sadd.s32 s0, s3;
	s0 =	sld [smem:$0x3FAC]  }
0x30: {  	s3 =	sld [smem:$0x3FAF]  }
0x31: {  	[smem:$0x3FB8] =	sst s10  }
0x32: {  	s10 =	sld [smem:$0x3FB6];
	_ =	sdelay $0x3  }
0x33: {  	p0 =	seq.s32 s10, $0x1;
	s10 =	sld [smem:$0x3FB8];
	_ =	sdelay $0x3  }
0x34: {  	[smem:$0x3FB8] =	sst s10  }
0x35: {  	s10 =	sld [smem:$0x3FB7];
	_ =	sdelay $0x3  }
0x36: {  	p1 =	seq.s32 s10, $0x1;
	s10 =	sld [smem:$0x3FB8];
	_ =	sdelay $0x3  }
0x37: {  	[smem:$0x3FB8] =	sst s10  }
0x38: {  	s10 =	sld [smem:$0x3FB9]  }
0x39: {  	_ = 	snop;
	(pc) =	sbr.ind lr, $3  }
0x3a: {  	_ = 	snop  }
0x3b: {  	_ = 	snop  }
0x3c: {  	p2 =	seq.s32 s10, $0x1;
	s10 =	sld [smem:$0x3FB8]  }
0x3d: {  	_ =	shalt  }
0x3e: {  	_ =	shalt  }
0x3f: {  	_ =	shalt  }
0x40: {  	_ =	shalt  }
0x41: {  	_ =	shalt  }
0x42: {  	_ =	shalt  }
0x43: {  	_ =	shalt  }
0x44: {  	_ =	shalt  }
0x45: {  	_ =	shalt  }
0x46: {  	_ =	shalt  }
0x47: {  	_ =	shalt  }
0x48: {  	_ =	shalt  }
0x49: {  	_ =	shalt  }
0x4a: {  	_ =	shalt  }
0x4b: {  	_ =	shalt  }
0x4c: {  	_ =	shalt  }
0x4d: {  	_ =	shalt  }
0x4e: {  	_ =	shalt  }
0x4f: {  	_ =	shalt  }
0x50: {  	_ =	shalt  }
0x51: {  	_ =	shalt  }
0x52: {  	_ =	shalt  }
0x53: {  	_ =	shalt  }
0x54: {  	_ =	shalt  }
0x55: {  	_ =	shalt  }
0x56: {  	_ =	shalt  }
0x57: {  	_ =	shalt  }
0x58: {  	_ =	shalt  }
0x59: {  	_ =	shalt  }
0x5a: {  	_ =	shalt  }
0x5b: {  	_ =	shalt  }
0x5c: {  	_ =	shalt  }
0x5d: {  	_ =	shalt  }
0x5e: {  	_ =	shalt  }
0x5f: {  	_ =	shalt  }
0x60: {  	_ =	shalt  }
0x61: {  	_ =	shalt  }
0x62: {  	_ =	shalt  }
0x63: {  	_ =	shalt  }
0x64: {  	_ =	shalt  }
0x65: {  	_ =	shalt  }
0x66: {  	_ =	shalt  }
0x67: {  	_ =	shalt  }
0x68: {  	_ =	shalt  }
0x69: {  	_ =	shalt  }
0x6a: {  	_ =	shalt  }
0x6b: {  	_ =	shalt  }
0x6c: {  	_ =	shalt  }
0x6d: {  	_ =	shalt  }
0x6e: {  	_ =	shalt  }
0x6f: {  	_ =	shalt  }
0x70: {  	_ =	shalt  }
0x71: {  	_ =	shalt  }
0x72: {  	_ =	shalt  }
0x73: {  	_ =	shalt  }
0x74: {  	_ =	shalt  }
0x75: {  	_ =	shalt  }
0x76: {  	_ =	shalt  }
0x77: {  	_ =	shalt  }
0x78: {  	_ =	shalt  }
0x79: {  	_ =	shalt  }
0x7a: {  	_ =	shalt  }
0x7b: {  	_ =	shalt  }
0x7c: {  	_ =	shalt  }
0x7d: {  	_ =	shalt  }
0x7e: {  	_ =	shalt  }
0x7f: {  	_ =	shalt  }
0x80: {  	_ =	shalt  }
0x81: {  	_ =	shalt  }
0x82: {  	_ =	shalt  }
0x83: {  	_ =	shalt  }
0x84: {  	_ =	shalt  }
0x85: {  	_ =	shalt  }
0x86: {  	_ =	shalt  }
0x87: {  	_ =	shalt  }
.Lfunc_end0:
.L_simem_size_0:
called_computation_lowered:
.L_overlay_start_0:
0x88: {  	s2 =	sld [smem:$0x3FD9]  }
0x89: {  	s3 =	sld [smem:$0x3FFE];
	_ =	sdelay $0x1  }
0x8a: {  	s1 =	srdreg.scid  }
0x8b: {  	s0 =	sand.u32 $0x1, s1  }
0x8c: {  	s17 =	sshll.u32 s0, $0xA;
	s2 =	sadd.s32 s3, s2  }
0x8d: {  	s2 =	sadd.s32 s2, s17  }
0x8e: {  	[smem:$0x3FC4] =	sst s2  }
0x8f: {  	_ = 	snop  }
0x90: {  	s2 =	sld [smem:$0x3FC9]  }
0x91: {  	s18 =	sld [smem:$0x3FC8]  }
0x92: {  	s4 =	sld [smem:$0x3FC7]  }
0x93: {  	s5 =	sld [smem:$0x3FD0];
	(tm) =	ssettm $0x1  }
0x94: {  	s6 =	sld [smem:$0x3FFB];
	_ =	sdelay $0x3  }
0x95: {  	_ =	strace s6  }
0x96: {  	s6 =	sld [smem:$0x3FFC];
	_ =	sdelay $0x3  }
0x97: {  	_ =	strace s6  }
0x98: {  	s6 =	sld [smem:$0x3FFD];
	_ =	sdelay $0x3  }
0x99: {  	_ =	strace s6  }
0x9a: {  	_ =	strace $0x8FFFFFFF  }
0x9b: {  	s19 =	sld [smem:$0x3FDB];
	_ =	sdelay $0x1  }
0x9c: {  	s7 =	simm.s32 $_scs_section_size  }
0x9d: {  	s8 =	simm.s32 $_size__tile_overlayer_lowered;
	s9 =	simm.s32 $_tile_overlayer_lowered  }
0x9e: {  	s22 =	simm.s32 $0x1BFF;
	s21 =	sshll.u32 s9, $0x1;
	s6 =	sadd.s32 s7, s19  }
0x9f: {  	s10 =	simm.s32 $0x0;
	s20 =	sshll.u32 s8, $0x1;
	s8 =	sadd.s32 s21, s6  }
0xa0: {  	[timem:s10], [sflag:s22] =	dma.local [hbm:s8], s20  }
0xa1: {  	_ =	swait.ge [sflag:s22], s20  }
0xa2: {  	s7 =	ssub.s32 $0x0, s20;
	[sflag:s22] =	ssyncset.done $0x0  }
0xa3: {  	[sflag:s22] =	ssyncadd.s32 s7;
	_ =	sdelay $0x1  }
0xa4: {  	s23 =	simm.s32 $0x1B8B  }
0xa5: {  	_ =	swait.ge [sflag:s23], $0x1  }
0xa6: {  	[sflag:s23] =	ssyncset.done $0x0  }
0xa7: {  	s25 =	simm.s32 $0x1B8E;
	s24 =	sld [smem:$0x3FFE];
	[sflag:s23] =	ssyncadd.s32 $0xFFFFFFFF  }
0xa8: {  	s26 =	simm.s32 $execute0_lowered;
	[smem:$0x3FD2] =	sst s25  }
0xa9: {  	s8 =	sshll.u32 s26, $0x1;
	_ =	strace $0x80000046;
	[dreg:$0x1] =	wrdreg $0xFFFFFFFF  }
0xaa: {  	s28 =	simm.s32 $_size_execute0_lowered;
	s6 =	sadd.s32 s6, s8;
	[dreg:$0x0] =	wrdreg $0x0  }
0xab: {  	s8 =	sshll.u32 s28, $0x1;
	[dreg:$0x2] =	wrdreg s6  }
0xac: {  	[dreg:$0x3] =	wrdreg s8  }
0xad: {  	[dreg:$0x4] =	wrdreg $0xC0  }
0xae: {  	_ =	task [dreg:s10], $0x5FFFF  }
0xaf: {  	[dreg:$0x1] =	wrdreg $0xFFFFFFFF  }
0xb0: {  	[dreg:$0x0] =	wrdreg $0x60  }
0xb1: {  	[dreg:$0x2] =	wrdreg s2  }
0xb2: {  	[dreg:$0x3] =	wrdreg s18  }
0xb3: {  	[dreg:$0x4] =	wrdreg s4  }
0xb4: {  	[dreg:$0x5] =	wrdreg s24  }
0xb5: {  	[dreg:$0x6] =	wrdreg s5  }
0xb6: {  	[dreg:$0x7] =	wrdreg $0x9  }
0xb7: {  	_ =	task.clear_ibuf [dreg:s10], $0x8FFFF;
	_ =	strace $0x90000046  }
0xb8: {  	s29 =	simm.s32 $0x9;
	_ =	strace $0x80000048  }
0xb9: {  	_ =	swait.ge [sflag:s29], $0x1  }
0xba: {  	[sflag:s29] =	ssyncadd.s32 $0xFFFFFFFF  }
0xbb: {  	_ =	strace $0x90000048  }
0xbc: {  	_ =	sfence  }
0xbd: {  	s30 =	sld [smem:$0x0];
	_ =	sdelay $0x2  }
0xbe: {  	s31 =	sshll.u32 s1, $0xD;
	s1 =	sshrl.u32 s1, $0x2  }
0xbf: {  	s3 =	sand.u32 $0x4000, s31;
	s1 =	sadd.s32 s1, s30  }
0xc0: {  	s0 =	sor.u32 s3, s0;
	s1 =	sshll.u32 s1, $0x11  }
0xc1: {  	s0 =	sor.u32 s1, s0  }
0xc2: {  	s0 =	sadd.s32 $0x8F2B, s0  }
0xc3: {  	[sflag:s0] =	ssyncadd.remote.s32 $0x1  }
0xc4: {  	_ =	sfence.sel $0xFFFF  }
0xc5: {  	[dreg:$0x0] =	wrdreg $0xFFFFFFFF;
	(pc) =	sbr.abs _section_cstart, $3  }
0xc6: {  	[dreg:$0x1] =	wrdreg $0xFFFFFFFF  }
0xc7: {  	_ =	task.clear_ibuf [dreg:s10], $0x2FFFF;
	_ =	strace $0x9FFFFFFF  }
0xc8: {  	(tm) =	ssettm $0x7FFFFFFF  }
0xc9: {  	_ =	shalt  }
tec
execute0_lowered:
.L_overlay_start_1:
0x0: {  	(tag) =	ssettag $0x1  }
0x1: {  	s0 =	rddreg [dreg:$0x0]  }
0x2: {  	s1 =	rddreg [dreg:$0x1]  }
0x3: {  	s16 =	rddreg [dreg:$0x2]  }
0x4: {  	s5 =	stileid.u32;
	s6 =	rddreg [dreg:$0x3]  }
0x5: {  	s2 =	srdreg.scid;
	s18 =	rddreg [dreg:$0x4];
	s21 =	simm.s32 $0x100  }
0x6: {  	s31 =	simm.s32 $0x1;
	s28 =	simm.s32 $0x4;
	s29 =	simm.s32 $0x0  }
0x7: {  	s3 =	sshll.u32 s5, $0x1;
	s4 =	sand.u32 $0x1, s2;
	s2 =	simm.s32 $0x0  }
0x8: {  	s5 =	sshrl.u32 s5, $0x1;
	s30 =	sadd.s32 $0x600, s6;
	s3 =	sand.u32 $0x2, s3  }
0x9: {  	[smem:$0x7FF] =	sst s2;
	s8 =	smul.u32 $0x24000, s5;
	s3 =	sor.u32 s4, s3  }
0xa: {  	s5 =	sadd.s32 $0x614, s6;
	s4 =	ssub.s32 $0x2, s4;
	s7 =	smul.u32 $0x60, s3  }
0xb: {  	_ =	strace $0x80000047;
	s26 =	sshrl.u32 s4, $0x1;
	s9 =	smul.u32 $0x9000, s3  }
0xc: {  	[dreg:$0x6] =	wrdreg s30;
	s19 =	ssub.s32 s4, s26;
	s7 =	sshrl.u32 s7, $0x3  }
0xd: {  	s4 =	sadd.s32 $0x60A, s6;
	s9 =	sadd.s32 s8, s9;
	s7 =	smul.u32 $0xC00, s7  }
0xe: {  	s6 =	sadd.s32 $0x61E, s6;
	s26 =	simm.s32 $0x3;
	s13 =	sshrl.u32 s9, $0x3  }
0xf: {  	s19 =	smax.u32 s19, $0x1;
	s9 =	sadd.s32 s16, s13;
	s10 =	sadd.s32 s8, s7  }
0x10: {  	s7 =	sadd.s32 s0, s13;
	s8 =	sadd.s32 s1, s13;
	s11 =	sadd.s32 $0x3000, s10  }
0x11: {  	s13 =	sadd.s32 s18, s13;
	s12 =	sadd.s32 $0x6000, s10;
	s17 =	sshrl.u32 s11, $0x3  }
0x12: {  	s20 =	sshrl.u32 s12, $0x3;
	s10 =	sadd.s32 s0, s17;
	s11 =	sadd.s32 s1, s17  }
0x13: {  	s12 =	sadd.s32 s16, s17;
	s14 =	sadd.s32 s0, s20;
	s15 =	sadd.s32 s1, s20  }
0x14: {  	s16 =	sadd.s32 s16, s20;
	s17 =	sadd.s32 s18, s17;
	s18 =	sadd.s32 s18, s20  }
0x15: {  	s20 =	simm.s32 $0x80;
	s1 =	simm.s32 $0x12200;
	s0 =	simm.s32 $0x2  }
.LBB2_1:
0x16: {  	s3 =	rddreg [dreg:$0x6]  }
0x17: {  	[tilespmem:s2], [sflag:$0x3] =	stream.linear.gather [hbm4b:s3+s2], $0x50, $0x38;
	[tilespmem:$0x18200] =	vst v63  }
0x18: {  	_ = 	snop  }
0x19: {  	[tilespmem:s20], [sflag:$0x3] =	stream.linear.gather [hbm4b:s4+s2], $0x50, $0x38;
	[tilespmem:$0x18200] =	vst v63  }
0x1a: {  	_ = 	snop  }
0x1b: {  	[tilespmem:s21], [sflag:$0x3] =	stream.linear.gather [hbm4b:s5+s2], $0x50, $0x38;
	[tilespmem:$0x18200] =	vst v63  }
0x1c: {  	s23 =	simm.s32 $0x180  }
0x1d: {  	[tilespmem:s23], [sflag:$0x3] =	stream.linear.gather [hbm4b:s6+s2], $0x20, $0x38;
	[tilespmem:$0x18200] =	vst v63  }
0x1e: {  	s24 =	simm.s32 $0x200  }
0x1f: {  	[tilespmem:s24], [sflag:$0x1] =	stream.linear.gather [hbm4b:s7+s2], $0x3000, $0x38;
	[tilespmem:$0x18200] =	vst v63  }
0x20: {  	s25 =	simm.s32 $0x6200  }
0x21: {  	[tilespmem:s25], [sflag:$0x1] =	stream.linear.gather [hbm4b:s8+s2], $0x3000, $0x38;
	[tilespmem:$0x18200] =	vst v63  }
0x22: {  	s22 =	simm.s32 $0xC200  }
0x23: {  	[tilespmem:s22], [sflag:$0x1] =	stream.linear.gather [hbm4b:s9+s2], $0x3000, $0x38;
	[tilespmem:$0x18200] =	vst v63  }
0x24: {  	_ =	swait.ge [sflag:s26], $0x50  }
0x25: {  	[sflag:s26] =	ssyncset.done $0x0  }
0x26: {  	[sflag:s26] =	ssyncadd.s32 $0xFFFFFFB0  }
0x27: {  	_ =	swait.ge [sflag:s26], $0x50  }
0x28: {  	[sflag:s26] =	ssyncset.done $0x0  }
0x29: {  	[sflag:s26] =	ssyncadd.s32 $0xFFFFFFB0  }
0x2a: {  	_ =	swait.ge [sflag:s26], $0x50  }
0x2b: {  	[sflag:s26] =	ssyncset.done $0x0  }
0x2c: {  	[sflag:s26] =	ssyncadd.s32 $0xFFFFFFB0  }
0x2d: {  	_ =	swait.ge [sflag:s26], $0x20  }
0x2e: {  	[sflag:s26] =	ssyncset.done $0x0  }
0x2f: {  	[sflag:s26] =	ssyncadd.s32 $0xFFFFFFE0  }
0x30: {  	s23 =	simm.s32 $0x3200;
	v0 =	vld [tilespmem:$0x180]  }
0x31: {  	v1 =	vld [tilespmem:$0x190];
	[tilespmem:s23], [sflag:$0x2] =	stream.linear.gather [hbm4b:s10+s2], $0x3000, $0x38  }
0x32: {  	s24 =	simm.s32 $0x9200  }
0x33: {  	[tilespmem:s24], [sflag:$0x2] =	stream.linear.gather [hbm4b:s11+s2], $0x3000, $0x38;
	[tilespmem:$0x18200] =	vst v63  }
0x34: {  	s25 =	simm.s32 $0xF200  }
0x35: {  	[tilespmem:s25], [sflag:$0x2] =	stream.linear.gather [hbm4b:s12+s2], $0x3000, $0x38;
	[tilespmem:$0x18200] =	vst v63  }
0x36: {  	_ =	swait.ge [sflag:s31], $0x3000  }
0x37: {  	s22 =	smulhi.u32 $0xAAAAAAAB, s2;
	[sflag:s31] =	ssyncset.done $0x0  }
0x38: {  	s23 =	smul.u32 $0xAAAB, s2;
	[sflag:s31] =	ssyncadd.s32 $0xFFFFD000  }
0x39: {  	s22 =	sshrl.u32 s22, $0x4;
	_ =	swait.ge [sflag:s31], $0x3000  }
0x3a: {  	s30 =	sshrl.u32 s23, $0x14;
	s23 =	sshrl.u32 s23, $0x17;
	[sflag:s31] =	ssyncset.done $0x0  }
0x3b: {  	s22 =	sand.u32 $0x7, s22;
	s23 =	ssub.s32 s23, s30;
	[sflag:s31] =	ssyncadd.s32 $0xFFFFD000  }
0x3c: {  	s22 =	sadd.s32 $0x0, s22;
	s23 =	smul.u32 $0xC00, s23;
	_ =	swait.ge [sflag:s31], $0x3000  }
0x3d: {  	s22 =	sshll.u32 s22, $0x7;
	[sflag:s31] =	ssyncset.done $0x0  }
0x3e: {  	s30 =	sadd.s32 s23, s22;
	[sflag:s31] =	ssyncadd.s32 $0xFFFFD000  }
0x3f: {  	v2 =	vld [tilespmem:s30+$0x6270]  }
0x40: {  	v3 =	vld [tilespmem:s30+$0x6240]  }
0x41: {  	v5 =	vld [tilespmem:s30+$0x6220]  }
0x42: {  	v6 =	vld [tilespmem:s30+$0x6210]  }
0x43: {  	v4 =	vld [tilespmem:s30+$0x6260]  }
0x44: {  	v8 =	vand.u32 $0x7FFFFFFF, v2  }
0x45: {  	v11 =	vld [tilespmem:s30+$0x6200];
	v2 =	vcvt.s32.f32 v8  }
0x46: {  	v9 =	vand.u32 $0x7FFFFFFF, v3;
	v3 =	vand.u32 $0x7FFFFFFF, v5  }
0x47: {  	v14 =	vand.u32 $0x7FFFFFFF, v6;
	v7 =	vcvt.s32.f32 v9;
	v2 =	vmul.f32 v2, v0  }
0x48: {  	v10 =	vld [tilespmem:s30+$0x6250];
	v13 =	vand.u32 $0x7FFFFFFF, v4;
	v6 =	vcvt.s32.f32 v3;
	v12 =	vcvt.s32.f32 v14  }
0x49: {  	v5 =	vld [tilespmem:s30+$0x6230];
	v4 =	vmul.f32 v7, v0;
	v7 =	vcvt.s32.f32 v13;
	v2 =	vadd.f32 v2, v1  }
0x4a: {  	v17 =	vand.u32 $0x7FFFFFFF, v11;
	v6 =	vmul.f32 v6, v0;
	v11 =	vmul.f32 v12, v0  }
0x4b: {  	v7 =	vmul.f32 v7, v0;
	v2 =	vtrunc.f32 v2  }
0x4c: {  	v15 =	vadd.f32 v4, v1;
	v11 =	vadd.f32 v11, v1;
	v2 =	vcvt.f32.s32 v2  }
0x4d: {  	v4 =	vand.u32 $0x7FFFFFFF, v10;
	v6 =	vadd.f32 v6, v1;
	v10 =	vadd.f32 v7, v1  }
0x4e: {  	v12 =	vcvt.s32.f32 v4;
	v7 =	vand.u32 $0x7FFFFFFF, v5;
	vm0 =	vgt.s32 v2, $0x0  }
0x4f: {  	v5 =	vcvt.s32.f32 v17;
	v10 =	vtrunc.f32 v10;
	v2 =	vnsel vm0, $0x0, v2  }
0x50: {  	v11 =	vtrunc.f32 v11;
	v10 =	vcvt.f32.s32 v10;
	v16 =	vmin.u32 v2, $0x3E  }
0x51: {  	v6 =	vtrunc.f32 v6;
	v18 =	vcvt.s32.f32 v7  }
0x52: {  	v12 =	vmul.f32 v12, v0;
	v11 =	vcvt.f32.s32 v11;
	vm14 =	vgt.s32 v10, $0x0  }
0x53: {  	v21 =	vld [tilespmem:s30+$0x240];
	v23 =	vcvt.f32.s32 v6;
	v5 =	vmul.f32 v5, v0;
	v10 =	vnsel vm14, $0x0, v10  }
0x54: {  	v18 =	vmul.f32 v18, v0;
	v2 =	vtrunc.f32 v15;
	v15 =	vld [tilespmem:s30+$0x260];
	v10 =	vmin.u32 v10, $0x3E  }
0x55: {  	vm1 =	vgt.s32 v11, $0x0;
	v12 =	vadd.f32 v12, v1;
	v20 =	vcvt.f32.s32 v2;
	v22 =	vld.idx.msk [tilespmem:v16+s2+$0x0], $0xffff  }
0x56: {  	vm4 =	vgt.s32 v23, $0x0;
	v5 =	vadd.f32 v5, v1;
	v6 =	vnsel vm1, $0x0, v11;
	v24 =	vld.idx.msk [tilespmem:v16+s20+$0x0], $0xffff  }
0x57: {  	v18 =	vadd.f32 v18, v1;
	v12 =	vtrunc.f32 v12;
	vm15 =	vgt.s32 v20, $0x0;
	v16 =	vld.idx.msk [tilespmem:v16+s21+$0x0], $0xffff  }
0x58: {  	v2 =	vld [tilespmem:s30+$0xC240];
	v5 =	vtrunc.f32 v5;
	v27 =	vcvt.f32.s32 v12;
	v11 =	vnsel vm15, $0x0, v20  }
0x59: {  	v18 =	vtrunc.f32 v18;
	v5 =	vcvt.f32.s32 v5;
	v25 =	vmin.u32 v11, $0x3E;
	v26 =	vld.idx.msk [tilespmem:v10+s2+$0x0], $0xffff  }
0x5a: {  	v18 =	vcvt.f32.s32 v18;
	vm6 =	vgt.s32 v27, $0x0;
	v11 =	vnsel vm4, $0x0, v23;
	v23 =	vld.idx.msk [tilespmem:v10+s20+$0x0], $0xffff  }
0x5b: {  	vm5 =	vgt.s32 v5, $0x0;
	v10 =	vld.idx.msk [tilespmem:v10+s21+$0x0], $0xffff;
	v28 =	vsub.f32 v8, v22;
	v29 =	vsub.f32 v8, v24  }
0x5c: {  	v20 =	vmin.u32 v6, $0x3E;
	v6 =	vld [tilespmem:s30+$0xC260];
	v5 =	vnsel vm5, $0x0, v5;
	v8 =	vsub.f32 v8, v16  }
0x5d: {  	v19 =	vld [tilespmem:s30+$0x270];
	vm9 =	vgt.s32 v18, $0x0;
	v30 =	vmin.u32 v11, $0x3E;
	v28 =	vadd.f32 v29, v28  }
0x5e: {  	v11 =	vsub.f32 v21, v2;
	v5 =	vmin.u32 v5, $0x3E;
	v31 =	vld.idx.msk [tilespmem:v25+s21+$0x0], $0xffff;
	v8 =	vadd.f32 v8, v29  }
0x5f: {  	v32 =	vld.idx.msk [tilespmem:v25+s20+$0x0], $0xffff;
	v21 =	vsub.f32 v13, v26;
	vm7 =	vgt.f32 v28, $0.0e+00;
	v28 =	vsub.f32 v13, v23  }
0x60: {  	v25 =	vld.idx.msk [tilespmem:v25+s2+$0x0], $0xffff;
	vm8 =	vgt.f32 v8, $0.0e+00;
	v8 =	vsub.f32 v13, v10;
	v22 =	vsel vm7, v24, v22  }
0x61: {  	v12 =	vld [tilespmem:s30+$0xC270];
	v35 =	vsub.f32 v15, v6;
	v38 =	vsel vm8, v16, v22;
	v21 =	vadd.f32 v28, v21  }
0x62: {  	v36 =	vld.idx.msk [tilespmem:v20+s21+$0x0], $0xffff;
	v16 =	vnsel vm9, $0x0, v18;
	v8 =	vadd.f32 v8, v28;
	(erf) = vrcp.f32 v38  }
0x63: {  	v37 =	vld.idx.msk [tilespmem:v20+s2+$0x0], $0xffff;
	v22 =	vnsel vm6, $0x0, v27;
	v29 =	vmin.u32 v16, $0x3E;
	vm10 =	vgt.f32 v21, $0.0e+00  }
0x64: {  	v40 =	vld.idx.msk [tilespmem:v20+s20+$0x0], $0xffff;
	vm11 =	vgt.f32 v8, $0.0e+00;
	v8 =	vsub.f32 v9, v32;
	v16 =	vsel vm10, v23, v26  }
0x65: {  	v15 =	vld.idx.msk [tilespmem:v30+s2+$0x0], $0xffff;
	v16 =	vsel vm11, v10, v16;
	v10 =	vsub.f32 v9, v25;
	v9 =	vsub.f32 v9, v31  }
0x66: {  	v13 =	vld.idx.msk [tilespmem:v30+s21+$0x0], $0xffff;
	v39 =	vmin.u32 v22, $0x3E  }
0x67: {  	v24 =	vld.idx.msk [tilespmem:v5+s2+$0x0], $0xffff;
	v10 =	vadd.f32 v8, v10;
	v8 =	vadd.f32 v9, v8  }
0x68: {  	v21 =	vld.idx.msk [tilespmem:v5+s21+$0x0], $0xffff  }
0x69: {  	v18 =	vld.idx.msk [tilespmem:v5+s20+$0x0], $0xffff;
	(erf) = vrcp.f32 v16  }
0x6a: {  	v19 =	vsub.f32 v19, v12;
	v33 =	vsub.f32 v14, v36;
	v27 =	vld.idx.msk [tilespmem:v29+s2+$0x0], $0xffff  }
0x6b: {  	v5 =	vsub.f32 v14, v37;
	v23 =	vld.idx.msk [tilespmem:v39+s2+$0x0], $0xffff;
	v9 =	vsub.f32 v14, v40;
	vm13 =	vgt.f32 v8, $0.0e+00;
	v8 =	vpop (erf)  }
0x6c: {  	v41 =	vsub.f32 v17, v24;
	v26 =	vld.idx.msk [tilespmem:v29+s21+$0x0], $0xffff;
	vm12 =	vgt.f32 v10, $0.0e+00;
	v8 =	vmul.f32 v8, v19  }
0x6d: {  	v29 =	vld.idx.msk [tilespmem:v29+s20+$0x0], $0xffff;
	v14 =	vsub.f32 v17, v21;
	v5 =	vadd.f32 v9, v5;
	v25 =	vsel vm12, v32, v25  }
0x6e: {  	v20 =	vld.idx.msk [tilespmem:v39+s21+$0x0], $0xffff;
	v19 =	vsub.f32 v17, v18;
	v17 =	vsel vm13, v31, v25;
	v25 =	vadd.f32 $1.258291200e+07, v8  }
0x6f: {  	v22 =	vsub.f32 v3, v15;
	v10 =	vld [tilespmem:s30+$0x200];
	v63 =	vadd.f32 v33, v9  }
0x70: {  	v28 =	vsub.f32 v3, v13;
	vm14 =	vgt.f32 v5, $0.0e+00;
	v45 =	vadd.f32 $-1.258291200e+07, v25;
	v25 =	vld.idx.msk [tilespmem:v30+s20+$0x0], $0xffff  }
0x71: {  	vm15 =	vgt.f32 v63, $0.0e+00;
	v42 =	vsub.f32 v7, v27;
	v43 =	vsub.f32 v7, v26;
	v30 =	vld.idx.msk [tilespmem:v39+s20+$0x0], $0xffff  }
0x72: {  	v9 =	vld [tilespmem:s30+$0x230];
	v44 =	vsub.f32 v7, v29;
	(erf) = vrcp.f32 v17;
	v31 =	vadd.f32 v14, v19;
	v14 =	vpop (erf)  }
0x73: {  	v5 =	vld [tilespmem:s30+$0x210];
	v33 =	vsub.f32 v4, v23;
	v34 =	vsub.f32 v4, v20;
	v32 =	vmul.f32 v14, v35  }
0x74: {  	v7 =	vld [tilespmem:s30+$0x220];
	v35 =	vadd.f32 v19, v41;
	v14 =	vsel vm14, v40, v37;
	v37 =	vadd.f32 v43, v44  }
0x75: {  	s22 =	simm.s32 $0x8;
	v8 =	vld [tilespmem:s30+$0x250];
	v14 =	vsel vm15, v36, v14;
	v36 =	vadd.f32 v44, v42;
	v19 =	vmul.f32 v45, v38  }
.LBB2_2:
0x76: {  	p0 =	slt.u32 s22, $0x2F8;
	vm0 =	vgt.f32 v35, $0.0e+00;
	v3 =	vsub.f32 v3, v25;
	v4 =	vsub.f32 v4, v30;
	s23 =	smov.u32 s22;
	s22 =	sadd.s32 $0x8, s22  }
0x77: {  	v32 =	vadd.f32 $1.258291200e+07, v32;
	vm1 =	vgt.f32 v36, $0.0e+00;
	vm2 =	vgt.f32 v37, $0.0e+00  }
0x78: {  	v18 =	vsel vm0, v18, v24;
	vm0 =	vgt.f32 v31, $0.0e+00;
	v24 =	vsel vm1, v29, v27  }
0x79: {  	v18 =	vsel vm0, v21, v18;
	v29 =	vadd.f32 v4, v33;
	v4 =	vadd.f32 v34, v4  }
0x7a: {  	v12 =	vadd.f32 v19, v12;
	v27 =	vadd.f32 $-1.258291200e+07, v32;
	(erf) = vrcp.f32 v18  }
0x7b: {  	v19 =	vadd.f32 v28, v3;
	v24 =	vsel vm2, v26, v24;
	vm0 =	vgt.f32 v29, $0.0e+00;
	v21 =	vpop (erf)  }
0x7c: {  	v3 =	vadd.f32 v3, v22;
	v22 =	vsel vm0, v30, v23;
	[tilespmem:s30+$0x12270] =	vst v12;
	(erf) = vrcp.f32 v24  }
0x7d: {  	vm1 =	vgt.f32 v4, $0.0e+00;
	vm0 =	vgt.f32 v19, $0.0e+00;
	v11 =	vmul.f32 v21, v11;
	v12 =	vld [tilespmem:s30+$0xC200]  }
0x7e: {  	vm2 =	vgt.f32 v3, $0.0e+00;
	v4 =	vmul.f32 v27, v16;
	v3 =	vsel vm1, v20, v22  }
0x7f: {  	v15 =	vsel vm2, v25, v15;
	v11 =	vadd.f32 $1.258291200e+07, v11;
	v16 =	vld [tilespmem:s30+$0xC230];
	(erf) = vrcp.f32 v14  }
0x80: {  	v13 =	vsel vm0, v13, v15;
	v4 =	vadd.f32 v4, v6;
	(erf) = vrcp.f32 v3  }
0x81: {  	v15 =	vadd.f32 $-1.258291200e+07, v11;
	v11 =	vld [tilespmem:s30+$0xC250];
	(erf) = vrcp.f32 v13  }
0x82: {  	v10 =	vsub.f32 v10, v12;
	v19 =	vld [tilespmem:s30+$0xC210];
	[tilespmem:s30+$0x12260] =	vst v4  }
0x83: {  	s24 =	smulhi.u32 $0xAAAAAAAB, s23;
	v15 =	vmul.f32 v15, v17;
	v6 =	vpop (erf)  }
0x84: {  	s3 =	smul.u32 $0xAAAB, s23;
	v6 =	vmul.f32 v6, v10;
	v10 =	vld [tilespmem:s30+$0xC220];
	v9 =	vsub.f32 v9, v16  }
0x85: {  	s24 =	sshrl.u32 s24, $0x4;
	v2 =	vadd.f32 v15, v2;
	v4 =	vpop (erf)  }
0x86: {  	s25 =	sshrl.u32 s3, $0x14;
	s3 =	sshrl.u32 s3, $0x17;
	s24 =	sand.u32 $0x7, s24;
	v6 =	vadd.f32 $1.258291200e+07, v6;
	v4 =	vmul.f32 v4, v9  }
0x87: {  	s3 =	ssub.s32 s3, s25;
	s23 =	sadd.s32 s24, s23;
	v5 =	vsub.f32 v5, v19;
	[tilespmem:s30+$0x12240] =	vst v2;
	v2 =	vsub.f32 v8, v11  }
0x88: {  	s3 =	smul.u32 $0xC00, s3;
	v6 =	vadd.f32 $-1.258291200e+07, v6;
	v4 =	vadd.f32 $1.258291200e+07, v4;
	v8 =	vpop (erf)  }
0x89: {  	s23 =	sshll.u32 s23, $0x7;
	v5 =	vmul.f32 v8, v5;
	v7 =	vsub.f32 v7, v10;
	v8 =	vpop (erf)  }
0x8a: {  	s23 =	sadd.s32 s3, s23;
	v6 =	vmul.f32 v6, v18;
	v4 =	vadd.f32 $-1.258291200e+07, v4;
	v2 =	vmul.f32 v8, v2;
	v8 =	vpop (erf)  }
0x8b: {  	v9 =	vld [tilespmem:s23+$0x6270];
	v5 =	vadd.f32 $1.258291200e+07, v5;
	v7 =	vmul.f32 v8, v7  }
0x8c: {  	v8 =	vld [tilespmem:s23+$0x6240];
	v6 =	vadd.f32 v6, v12;
	v4 =	vmul.f32 v4, v24;
	v2 =	vadd.f32 $1.258291200e+07, v2  }
0x8d: {  	v12 =	vld [tilespmem:s23+$0x6260];
	v5 =	vadd.f32 $-1.258291200e+07, v5;
	v7 =	vadd.f32 $1.258291200e+07, v7  }
0x8e: {  	v18 =	vld [tilespmem:s23+$0x6250];
	[tilespmem:s30+$0x12200] =	vst v6;
	v4 =	vadd.f32 v4, v16;
	v2 =	vadd.f32 $-1.258291200e+07, v2  }
0x8f: {  	v6 =	vld [tilespmem:s23+$0x6220];
	v5 =	vmul.f32 v5, v14;
	v7 =	vadd.f32 $-1.258291200e+07, v7  }
0x90: {  	v14 =	vld [tilespmem:s23+$0x6210];
	v21 =	vand.u32 $0x7FFFFFFF, v9;
	[tilespmem:s30+$0x12230] =	vst v4;
	v2 =	vmul.f32 v2, v3  }
0x91: {  	v9 =	vld [tilespmem:s23+$0x6200];
	v17 =	vand.u32 $0x7FFFFFFF, v8;
	v3 =	vcvt.s32.f32 v21;
	v4 =	vmul.f32 v7, v13  }
0x92: {  	v7 =	vld [tilespmem:s23+$0x6230];
	v8 =	vcvt.s32.f32 v17;
	v16 =	vand.u32 $0x7FFFFFFF, v12;
	v2 =	vadd.f32 v2, v11  }
0x93: {  	v5 =	vadd.f32 v5, v19;
	v15 =	vld [tilespmem:s23+$0x270];
	v11 =	vmul.f32 v3, v0;
	v4 =	vadd.f32 v4, v10  }
0x94: {  	v3 =	vand.u32 $0x7FFFFFFF, v6;
	v6 =	vmul.f32 v8, v0;
	v13 =	vld [tilespmem:s23+$0x260];
	v8 =	vcvt.s32.f32 v16;
	[tilespmem:s30+$0x12250] =	vst v2  }
0x95: {  	v20 =	vand.u32 $0x7FFFFFFF, v14;
	v12 =	vcvt.s32.f32 v3;
	v22 =	vld [tilespmem:s23+$0x240];
	v11 =	vadd.f32 v11, v1;
	[tilespmem:s30+$0x12220] =	vst v4  }
0x96: {  	v4 =	vand.u32 $0x7FFFFFFF, v18;
	v23 =	vcvt.s32.f32 v20;
	v2 =	vld [tilespmem:s23+$0xC240];
	v6 =	vadd.f32 v6, v1;
	[tilespmem:s30+$0x12210] =	vst v5;
	s30 =	smov.u32 s23  }
0x97: {  	v19 =	vand.u32 $0x7FFFFFFF, v9;
	v8 =	vmul.f32 v8, v0;
	v10 =	vld [tilespmem:s30+$0x200];
	v5 =	vtrunc.f32 v11  }
0x98: {  	v11 =	vmul.f32 v12, v0;
	v14 =	vand.u32 $0x7FFFFFFF, v7;
	v9 =	vld [tilespmem:s30+$0x230];
	v12 =	vcvt.f32.s32 v5  }
0x99: {  	v24 =	vcvt.s32.f32 v4;
	v18 =	vcvt.s32.f32 v19;
	v25 =	vadd.f32 v8, v1;
	v5 =	vld [tilespmem:s30+$0x210]  }
0x9a: {  	v26 =	vcvt.s32.f32 v14;
	v6 =	vtrunc.f32 v6;
	v8 =	vld [tilespmem:s30+$0x250];
	vm0 =	vgt.s32 v12, $0x0  }
0x9b: {  	v23 =	vmul.f32 v23, v0;
	v25 =	vtrunc.f32 v25;
	v7 =	vld [tilespmem:s30+$0x220];
	v12 =	vnsel vm0, $0x0, v12  }
0x9c: {  	v11 =	vadd.f32 v11, v1;
	v25 =	vcvt.f32.s32 v25;
	v12 =	vmin.u32 v12, $0x3E  }
0x9d: {  	v24 =	vmul.f32 v24, v0;
	v6 =	vcvt.f32.s32 v6;
	v23 =	vadd.f32 v23, v1  }
0x9e: {  	v18 =	vmul.f32 v18, v0;
	v26 =	vmul.f32 v26, v0;
	vm0 =	vgt.s32 v25, $0x0  }
0x9f: {  	vm1 =	vgt.s32 v6, $0x0;
	v23 =	vtrunc.f32 v23;
	v25 =	vnsel vm0, $0x0, v25  }
0xa0: {  	v11 =	vtrunc.f32 v11;
	v23 =	vcvt.f32.s32 v23;
	v25 =	vmin.u32 v25, $0x3E  }
0xa1: {  	v24 =	vadd.f32 v24, v1;
	v18 =	vadd.f32 v18, v1;
	v11 =	vcvt.f32.s32 v11;
	v27 =	vld.idx.msk [tilespmem:v12+s2+$0x0], $0xffff  }
0xa2: {  	v26 =	vadd.f32 v26, v1;
	v28 =	vnsel vm1, $0x0, v6;
	vm0 =	vgt.s32 v23, $0x0;
	v29 =	vld.idx.msk [tilespmem:v12+s21+$0x0], $0xffff  }
0xa3: {  	v6 =	vnsel vm0, $0x0, v23;
	vm0 =	vgt.s32 v11, $0x0;
	v23 =	vtrunc.f32 v24;
	v24 =	vld.idx.msk [tilespmem:v12+s20+$0x0], $0xffff  }
0xa4: {  	v30 =	vmin.u32 v6, $0x3E;
	v11 =	vnsel vm0, $0x0, v11;
	v12 =	vtrunc.f32 v26;
	v6 =	vld [tilespmem:s30+$0xC260]  }
0xa5: {  	v18 =	vtrunc.f32 v18;
	v23 =	vcvt.f32.s32 v23;
	v26 =	vmin.u32 v28, $0x3E;
	v28 =	vld.idx.msk [tilespmem:v25+s2+$0x0], $0xffff  }
0xa6: {  	v18 =	vcvt.f32.s32 v18;
	v31 =	vmin.u32 v11, $0x3E;
	v32 =	vcvt.f32.s32 v12;
	v33 =	vld.idx.msk [tilespmem:v25+s20+$0x0], $0xffff  }
0xa7: {  	v11 =	vsub.f32 v22, v2;
	vm0 =	vgt.s32 v23, $0x0;
	v22 =	vld.idx.msk [tilespmem:v25+s21+$0x0], $0xffff;
	v25 =	vsub.f32 v21, v27  }
0xa8: {  	vm1 =	vgt.s32 v18, $0x0;
	v23 =	vnsel vm0, $0x0, v23;
	v34 =	vsub.f32 v21, v29;
	v12 =	vld [tilespmem:s30+$0xC270]  }
0xa9: {  	v18 =	vnsel vm1, $0x0, v18;
	v35 =	vmin.u32 v23, $0x3E;
	v21 =	vsub.f32 v21, v24;
	v36 =	vld.idx.msk [tilespmem:v30+s21+$0x0], $0xffff  }
0xaa: {  	v23 =	vmin.u32 v18, $0x3E;
	vm0 =	vgt.s32 v32, $0x0;
	v38 =	vsub.f32 v13, v6;
	v37 =	vld.idx.msk [tilespmem:v26+s21+$0x0], $0xffff  }
0xab: {  	v18 =	vnsel vm0, $0x0, v32;
	v25 =	vadd.f32 v21, v25;
	v21 =	vadd.f32 v34, v21;
	v39 =	vld.idx.msk [tilespmem:v30+s2+$0x0], $0xffff  }
0xac: {  	v32 =	vmin.u32 v18, $0x3E;
	v18 =	vsub.f32 v16, v28;
	v34 =	vsub.f32 v16, v33;
	v13 =	vld.idx.msk [tilespmem:v31+s21+$0x0], $0xffff  }
0xad: {  	v16 =	vsub.f32 v16, v22;
	vm0 =	vgt.f32 v25, $0.0e+00;
	vm1 =	vgt.f32 v21, $0.0e+00;
	v40 =	vld.idx.msk [tilespmem:v26+s20+$0x0], $0xffff  }
0xae: {  	v21 =	vadd.f32 v34, v18;
	v24 =	vsel vm0, v24, v27;
	v42 =	vsub.f32 v15, v12;
	v41 =	vld.idx.msk [tilespmem:v26+s2+$0x0], $0xffff  }
0xaf: {  	v43 =	vsub.f32 v20, v36;
	v16 =	vadd.f32 v16, v34;
	v44 =	vsel vm1, v29, v24;
	v18 =	vld.idx.msk [tilespmem:v23+s20+$0x0], $0xffff  }
0xb0: {  	v26 =	vsub.f32 v17, v37;
	vm0 =	vgt.f32 v21, $0.0e+00;
	v15 =	vld.idx.msk [tilespmem:v31+s2+$0x0], $0xffff;
	(erf) = vrcp.f32 v44  }
0xb1: {  	v21 =	vsel vm0, v33, v28;
	vm0 =	vgt.f32 v16, $0.0e+00;
	v24 =	vld.idx.msk [tilespmem:v23+s2+$0x0], $0xffff  }
0xb2: {  	v16 =	vsel vm0, v22, v21;
	v45 =	vld.idx.msk [tilespmem:v30+s20+$0x0], $0xffff;
	v30 =	vsub.f32 v20, v39  }
0xb3: {  	v21 =	vld.idx.msk [tilespmem:v23+s21+$0x0], $0xffff;
	v23 =	vsub.f32 v17, v40;
	(erf) = vrcp.f32 v16  }
0xb4: {  	v17 =	vsub.f32 v17, v41;
	v25 =	vld.idx.msk [tilespmem:v31+s20+$0x0], $0xffff  }
0xb5: {  	v27 =	vld.idx.msk [tilespmem:v32+s2+$0x0], $0xffff;
	v31 =	vadd.f32 v26, v23  }
0xb6: {  	v22 =	vsub.f32 v3, v15;
	v17 =	vadd.f32 v23, v17;
	v23 =	vld.idx.msk [tilespmem:v35+s2+$0x0], $0xffff  }
0xb7: {  	v26 =	vld.idx.msk [tilespmem:v32+s21+$0x0], $0xffff  }
0xb8: {  	v28 =	vsub.f32 v3, v13;
	v33 =	vsub.f32 v20, v45;
	vm0 =	vgt.f32 v17, $0.0e+00;
	v29 =	vld.idx.msk [tilespmem:v32+s20+$0x0], $0xffff  }
0xb9: {  	v32 =	vsub.f32 v19, v21;
	v17 =	vsel vm0, v40, v41;
	vm0 =	vgt.f32 v31, $0.0e+00;
	v20 =	vld.idx.msk [tilespmem:v35+s21+$0x0], $0xffff;
	v31 =	vpop (erf)  }
0xba: {  	v40 =	vsub.f32 v19, v24;
	v34 =	vadd.f32 v33, v30;
	v30 =	vld.idx.msk [tilespmem:v35+s20+$0x0], $0xffff;
	v31 =	vmul.f32 v31, v42  }
0xbb: {  	v19 =	vsub.f32 v19, v18;
	v33 =	vadd.f32 v43, v33;
	v17 =	vsel vm0, v37, v17  }
0xbc: {  	v37 =	vsub.f32 v14, v27;
	vm0 =	vgt.f32 v34, $0.0e+00;
	v34 =	vadd.f32 $1.258291200e+07, v31;
	v35 =	vpop (erf)  }
.Ltmp0:
0xbd: {  	vm1 =	vgt.f32 v33, $0.0e+00;
	v31 =	vadd.f32 v32, v19;
	v41 =	vsub.f32 v14, v26;
	(pc) =	sbr.rel @p0 .LBB2_2-.Ltmp0, $4  }
0xbe: {  	v42 =	vsub.f32 v14, v29;
	v14 =	vadd.f32 $-1.258291200e+07, v34;
	(erf) = vrcp.f32 v17  }
0xbf: {  	v33 =	vsub.f32 v4, v23;
	v32 =	vmul.f32 v35, v38;
	v34 =	vsub.f32 v4, v20  }
0xc0: {  	v35 =	vadd.f32 v19, v40;
	v38 =	vsel vm0, v45, v39;
	v19 =	vmul.f32 v14, v44  }
0xc1: {  	v14 =	vsel vm1, v36, v38;
	v36 =	vadd.f32 v42, v37;
	v37 =	vadd.f32 v41, v42  }
0xc2: {  	vm0 =	vgt.f32 v35, $0.0e+00;
	v3 =	vsub.f32 v3, v25;
	v4 =	vsub.f32 v4, v30  }
0xc3: {  	vm7 =	vgt.f32 v31, $0.0e+00;
	vm1 =	vgt.f32 v36, $0.0e+00;
	v18 =	vsel vm0, v18, v24  }
0xc4: {  	vm2 =	vgt.f32 v37, $0.0e+00;
	v18 =	vsel vm7, v21, v18;
	v21 =	vadd.f32 v4, v33  }
0xc5: {  	v24 =	vsel vm1, v29, v27;
	v4 =	vadd.f32 v34, v4;
	v27 =	vadd.f32 v28, v3  }
0xc6: {  	v3 =	vadd.f32 v3, v22;
	(erf) = vrcp.f32 v18;
	v24 =	vsel vm2, v26, v24  }
0xc7: {  	vm8 =	vgt.f32 v21, $0.0e+00;
	(erf) = vrcp.f32 v24;
	vm9 =	vgt.f32 v27, $0.0e+00  }
0xc8: {  	vm10 =	vgt.f32 v4, $0.0e+00;
	vm11 =	vgt.f32 v3, $0.0e+00;
	v21 =	vsel vm8, v30, v23  }
0xc9: {  	v4 =	vsel vm11, v25, v15;
	(erf) = vrcp.f32 v14;
	v3 =	vsel vm10, v20, v21  }
0xca: {  	v22 =	vld [tilespmem:s30+$0xC220];
	v4 =	vsel vm9, v13, v4;
	(erf) = vrcp.f32 v3  }
0xcb: {  	v13 =	vld [tilespmem:s30+$0xC200];
	v20 =	vadd.f32 $1.258291200e+07, v32;
	(erf) = vrcp.f32 v4  }
0xcc: {  	v15 =	vld [tilespmem:s30+$0xC230]  }
0xcd: {  	v21 =	vld [tilespmem:s30+$0xC250];
	v20 =	vadd.f32 $-1.258291200e+07, v20;
	_ =	sdelay $0x1  }
0xce: {  	v23 =	vpop (erf);
	v25 =	vld [tilespmem:s30+$0xC210];
	v16 =	vmul.f32 v20, v16  }
0xcf: {  	v11 =	vmul.f32 v23, v11;
	v10 =	vsub.f32 v10, v13;
	v23 =	vpop (erf)  }
0xd0: {  	v12 =	vadd.f32 v19, v12;
	v9 =	vsub.f32 v9, v15;
	v19 =	vpop (erf)  }
0xd1: {  	v7 =	vsub.f32 v7, v22;
	v8 =	vsub.f32 v8, v21;
	v10 =	vmul.f32 v23, v10;
	v20 =	vpop (erf)  }
0xd2: {  	v11 =	vadd.f32 $1.258291200e+07, v11;
	v6 =	vadd.f32 v16, v6;
	v9 =	vmul.f32 v19, v9;
	v16 =	vpop (erf)  }
0xd3: {  	v5 =	vsub.f32 v5, v25;
	v10 =	vadd.f32 $1.258291200e+07, v10;
	v8 =	vmul.f32 v16, v8;
	v16 =	vpop (erf)  }
0xd4: {  	v11 =	vadd.f32 $-1.258291200e+07, v11;
	v9 =	vadd.f32 $1.258291200e+07, v9;
	v7 =	vmul.f32 v16, v7  }
0xd5: {  	v5 =	vmul.f32 v20, v5;
	v10 =	vadd.f32 $-1.258291200e+07, v10;
	v8 =	vadd.f32 $1.258291200e+07, v8  }
0xd6: {  	v11 =	vmul.f32 v11, v17;
	v9 =	vadd.f32 $-1.258291200e+07, v9;
	v7 =	vadd.f32 $1.258291200e+07, v7  }
0xd7: {  	v5 =	vadd.f32 $1.258291200e+07, v5;
	v10 =	vmul.f32 v10, v18;
	v8 =	vadd.f32 $-1.258291200e+07, v8  }
0xd8: {  	[tilespmem:s30+$0x12270] =	vst v12;
	v2 =	vadd.f32 v11, v2;
	v9 =	vmul.f32 v9, v24;
	v7 =	vadd.f32 $-1.258291200e+07, v7  }
0xd9: {  	[tilespmem:s30+$0x12260] =	vst v6;
	v5 =	vadd.f32 $-1.258291200e+07, v5;
	v6 =	vadd.f32 v10, v13;
	v3 =	vmul.f32 v8, v3  }
0xda: {  	[tilespmem:s30+$0x12240] =	vst v2;
	v2 =	vadd.f32 v9, v15;
	v4 =	vmul.f32 v7, v4  }
0xdb: {  	v5 =	vmul.f32 v5, v14;
	[tilespmem:s30+$0x12200] =	vst v6;
	v3 =	vadd.f32 v3, v21  }
0xdc: {  	[tilespmem:s30+$0x12230] =	vst v2;
	v2 =	vadd.f32 v4, v22  }
0xdd: {  	v4 =	vadd.f32 v5, v25;
	[tilespmem:s30+$0x12250] =	vst v3  }
0xde: {  	[tilespmem:s30+$0x12220] =	vst v2  }
0xdf: {  	s3 =	simm.s32 $0x0;
	[tilespmem:s30+$0x12210] =	vst v4  }
0xe0: {  	[hbm4b:s13+s3] =	stream.linear.scatter [tilespmem:s1], [sflag:$0x3], $0x3000, $0x38;
	[tilespmem:$0x18200] =	vst v63  }
0xe1: {  	s22 =	simm.s32 $0x200  }
0xe2: {  	[tilespmem:s22], [sflag:$0x1] =	stream.linear.gather [hbm4b:s14+s3], $0x3000, $0x38;
	[tilespmem:$0x18200] =	vst v63  }
0xe3: {  	s23 =	simm.s32 $0x6200  }
0xe4: {  	[tilespmem:s23], [sflag:$0x1] =	stream.linear.gather [hbm4b:s15+s3], $0x3000, $0x38;
	[tilespmem:$0x18200] =	vst v63  }
0xe5: {  	s24 =	simm.s32 $0xC200  }
0xe6: {  	[tilespmem:s24], [sflag:$0x1] =	stream.linear.gather [hbm4b:s16+s3], $0x3000, $0x38;
	[tilespmem:$0x18200] =	vst v63  }
0xe7: {  	_ =	swait.ge [sflag:s0], $0x3000  }
0xe8: {  	s25 =	smulhi.u32 $0xAAAAAAAB, s3;
	[sflag:s0] =	ssyncset.done $0x0  }
0xe9: {  	s3 =	smul.u32 $0xAAAB, s3;
	[sflag:s0] =	ssyncadd.s32 $0xFFFFD000  }
0xea: {  	s22 =	sshrl.u32 s25, $0x4;
	_ =	swait.ge [sflag:s0], $0x3000  }
0xeb: {  	s23 =	sshrl.u32 s3, $0x14;
	s3 =	sshrl.u32 s3, $0x17;
	[sflag:s0] =	ssyncset.done $0x0  }
0xec: {  	s22 =	sand.u32 $0x7, s22;
	s3 =	ssub.s32 s3, s23;
	[sflag:s0] =	ssyncadd.s32 $0xFFFFD000  }
0xed: {  	s22 =	sadd.s32 $0x0, s22;
	s3 =	smul.u32 $0xC00, s3;
	_ =	swait.ge [sflag:s0], $0x3000  }
0xee: {  	s22 =	sshll.u32 s22, $0x7;
	[sflag:s0] =	ssyncset.done $0x0  }
0xef: {  	s30 =	sadd.s32 s3, s22;
	[sflag:s0] =	ssyncadd.s32 $0xFFFFD000  }
0xf0: {  	v2 =	vld [tilespmem:s30+$0x9270]  }
0xf1: {  	v3 =	vld [tilespmem:s30+$0x9240]  }
0xf2: {  	v5 =	vld [tilespmem:s30+$0x9220]  }
0xf3: {  	v6 =	vld [tilespmem:s30+$0x9210]  }
0xf4: {  	v4 =	vld [tilespmem:s30+$0x9260];
	_ =	sdelay $0x1  }
0xf5: {  	v8 =	vand.u32 $0x7FFFFFFF, v2  }
0xf6: {  	v11 =	vld [tilespmem:s30+$0x9200];
	v9 =	vand.u32 $0x7FFFFFFF, v3;
	v3 =	vand.u32 $0x7FFFFFFF, v5;
	v2 =	vcvt.s32.f32 v8  }
0xf7: {  	v10 =	vld [tilespmem:s30+$0x9250];
	v14 =	vand.u32 $0x7FFFFFFF, v6;
	v7 =	vcvt.s32.f32 v9;
	v6 =	vcvt.s32.f32 v3  }
0xf8: {  	v13 =	vand.u32 $0x7FFFFFFF, v4;
	v12 =	vcvt.s32.f32 v14;
	v2 =	vmul.f32 v2, v0  }
0xf9: {  	v5 =	vld [tilespmem:s30+$0x9230];
	v4 =	vmul.f32 v7, v0;
	v7 =	vcvt.s32.f32 v13  }
0xfa: {  	v6 =	vmul.f32 v6, v0;
	v2 =	vadd.f32 v2, v1  }
0xfb: {  	v17 =	vand.u32 $0x7FFFFFFF, v11;
	v11 =	vmul.f32 v12, v0;
	v7 =	vmul.f32 v7, v0  }
0xfc: {  	v15 =	vadd.f32 v4, v1;
	v4 =	vand.u32 $0x7FFFFFFF, v10;
	v2 =	vtrunc.f32 v2  }
0xfd: {  	v11 =	vadd.f32 v11, v1;
	v6 =	vadd.f32 v6, v1;
	v2 =	vcvt.f32.s32 v2  }
0xfe: {  	v12 =	vcvt.s32.f32 v4;
	v10 =	vadd.f32 v7, v1;
	v7 =	vand.u32 $0x7FFFFFFF, v5  }
0xff: {  	v5 =	vcvt.s32.f32 v17;
	v11 =	vtrunc.f32 v11;
	vm12 =	vgt.s32 v2, $0x0  }
0x100: {  	v6 =	vtrunc.f32 v6;
	v18 =	vcvt.s32.f32 v7;
	v2 =	vnsel vm12, $0x0, v2  }
0x101: {  	v12 =	vmul.f32 v12, v0;
	v10 =	vtrunc.f32 v10;
	v16 =	vmin.u32 v2, $0x3E  }
0x102: {  	v19 =	vld [tilespmem:s30+$0x3270];
	v11 =	vcvt.f32.s32 v11;
	v10 =	vcvt.f32.s32 v10  }
0x103: {  	v21 =	vld [tilespmem:s30+$0x3240];
	v23 =	vcvt.f32.s32 v6;
	v5 =	vmul.f32 v5, v0  }
0x104: {  	v18 =	vmul.f32 v18, v0;
	v2 =	vtrunc.f32 v15;
	v15 =	vld [tilespmem:s30+$0x3260];
	vm13 =	vgt.s32 v10, $0x0  }
0x105: {  	v12 =	vadd.f32 v12, v1;
	v20 =	vcvt.f32.s32 v2;
	v10 =	vnsel vm13, $0x0, v10;
	v2 =	vld [tilespmem:s30+$0xF240]  }
0x106: {  	vm15 =	vgt.s32 v11, $0x0;
	v5 =	vadd.f32 v5, v1;
	v10 =	vmin.u32 v10, $0x3E;
	v22 =	vld.idx.msk [tilespmem:v16+s2+$0x0], $0xffff  }
0x107: {  	v6 =	vnsel vm15, $0x0, v11;
	v18 =	vadd.f32 v18, v1;
	v12 =	vtrunc.f32 v12;
	v24 =	vld.idx.msk [tilespmem:v16+s20+$0x0], $0xffff  }
0x108: {  	v5 =	vtrunc.f32 v5;
	v27 =	vcvt.f32.s32 v12;
	vm14 =	vgt.s32 v20, $0x0;
	v16 =	vld.idx.msk [tilespmem:v16+s21+$0x0], $0xffff  }
0x109: {  	v12 =	vld [tilespmem:s30+$0xF270];
	v5 =	vcvt.f32.s32 v5;
	v11 =	vnsel vm14, $0x0, v20;
	v20 =	vmin.u32 v6, $0x3E  }
0x10a: {  	v18 =	vtrunc.f32 v18;
	v6 =	vld [tilespmem:s30+$0xF260];
	v25 =	vmin.u32 v11, $0x3E  }
0x10b: {  	vm4 =	vgt.s32 v23, $0x0;
	v18 =	vcvt.f32.s32 v18;
	vm5 =	vgt.s32 v5, $0x0;
	v26 =	vld.idx.msk [tilespmem:v10+s2+$0x0], $0xffff  }
0x10c: {  	v11 =	vnsel vm4, $0x0, v23;
	v23 =	vld.idx.msk [tilespmem:v10+s20+$0x0], $0xffff;
	v28 =	vsub.f32 v8, v22;
	v29 =	vsub.f32 v8, v24  }
0x10d: {  	vm6 =	vgt.s32 v27, $0x0;
	v5 =	vnsel vm5, $0x0, v5;
	v10 =	vld.idx.msk [tilespmem:v10+s21+$0x0], $0xffff;
	v8 =	vsub.f32 v8, v16  }
0x10e: {  	vm9 =	vgt.s32 v18, $0x0;
	v30 =	vmin.u32 v11, $0x3E;
	v59 =	vld.idx.msk [tilespmem:v20+s21+$0x0], $0xffff;
	v28 =	vadd.f32 v29, v28  }
0x10f: {  	v11 =	vsub.f32 v21, v2;
	v5 =	vmin.u32 v5, $0x3E;
	v31 =	vld.idx.msk [tilespmem:v25+s21+$0x0], $0xffff;
	v8 =	vadd.f32 v8, v29  }
0x110: {  	v19 =	vsub.f32 v19, v12;
	v61 =	vld.idx.msk [tilespmem:v25+s20+$0x0], $0xffff;
	v21 =	vsub.f32 v13, v26;
	vm7 =	vgt.f32 v28, $0.0e+00  }
0x111: {  	v25 =	vld.idx.msk [tilespmem:v25+s2+$0x0], $0xffff;
	v28 =	vsub.f32 v13, v23;
	vm8 =	vgt.f32 v8, $0.0e+00;
	v8 =	vsel vm7, v24, v22  }
0x112: {  	v60 =	vld.idx.msk [tilespmem:v20+s2+$0x0], $0xffff;
	v62 =	vsub.f32 v15, v6;
	v22 =	vsub.f32 v13, v10;
	v38 =	vsel vm8, v16, v8  }
0x113: {  	v40 =	vld.idx.msk [tilespmem:v20+s20+$0x0], $0xffff;
	v8 =	vnsel vm9, $0x0, v18;
	v16 =	vadd.f32 v28, v21;
	v21 =	vnsel vm6, $0x0, v27  }
0x114: {  	v15 =	vld.idx.msk [tilespmem:v30+s2+$0x0], $0xffff;
	(erf) = vrcp.f32 v38;
	v8 =	vmin.u32 v8, $0x3E;
	v22 =	vadd.f32 v22, v28  }
0x115: {  	v63 =	vsub.f32 v14, v59;
	v13 =	vld.idx.msk [tilespmem:v30+s21+$0x0], $0xffff;
	v39 =	vmin.u32 v21, $0x3E;
	vm10 =	vgt.f32 v16, $0.0e+00  }
0x116: {  	v20 =	vsub.f32 v9, v25;
	v24 =	vld.idx.msk [tilespmem:v5+s2+$0x0], $0xffff;
	v16 =	vsel vm10, v23, v26;
	vm11 =	vgt.f32 v22, $0.0e+00  }
0x117: {  	v18 =	vld.idx.msk [tilespmem:v5+s20+$0x0], $0xffff;
	v16 =	vsel vm11, v10, v16;
	v10 =	vsub.f32 v9, v61;
	v9 =	vsub.f32 v9, v31  }
0x118: {  	v21 =	vld.idx.msk [tilespmem:v5+s21+$0x0], $0xffff;
	v5 =	vsub.f32 v14, v60;
	v14 =	vsub.f32 v14, v40  }
0x119: {  	v22 =	vsub.f32 v3, v15;
	(erf) = vrcp.f32 v16;
	v27 =	vld.idx.msk [tilespmem:v8+s2+$0x0], $0xffff;
	v9 =	vadd.f32 v9, v10  }
0x11a: {  	v5 =	vadd.f32 v14, v5;
	v14 =	vadd.f32 v63, v14;
	v23 =	vld.idx.msk [tilespmem:v39+s2+$0x0], $0xffff  }
0x11b: {  	v28 =	vsub.f32 v3, v13;
	v20 =	vadd.f32 v10, v20;
	v26 =	vld.idx.msk [tilespmem:v8+s21+$0x0], $0xffff  }
0x11c: {  	v41 =	vsub.f32 v17, v24;
	v42 =	vsub.f32 v17, v18;
	vm14 =	vgt.f32 v5, $0.0e+00;
	v29 =	vld.idx.msk [tilespmem:v8+s20+$0x0], $0xffff  }
0x11d: {  	v8 =	vsub.f32 v17, v21;
	vm12 =	vgt.f32 v20, $0.0e+00;
	vm13 =	vgt.f32 v9, $0.0e+00;
	v20 =	vld.idx.msk [tilespmem:v39+s21+$0x0], $0xffff;
	v9 =	vpop (erf)  }
0x11e: {  	v5 =	vld [tilespmem:s30+$0x3210];
	v35 =	vadd.f32 v42, v41;
	v25 =	vsel vm12, v61, v25;
	v19 =	vmul.f32 v9, v19  }
0x11f: {  	v17 =	vsel vm13, v31, v25;
	v31 =	vadd.f32 v8, v42;
	v25 =	vld.idx.msk [tilespmem:v30+s20+$0x0], $0xffff;
	v43 =	vsub.f32 v7, v27  }
0x120: {  	v30 =	vld.idx.msk [tilespmem:v39+s20+$0x0], $0xffff;
	v44 =	vsub.f32 v7, v26;
	v19 =	vadd.f32 $1.258291200e+07, v19  }
0x121: {  	v10 =	vld [tilespmem:s30+$0x3200];
	v45 =	vsub.f32 v7, v29;
	(erf) = vrcp.f32 v17;
	v33 =	vsub.f32 v4, v23  }
0x122: {  	vm15 =	vgt.f32 v14, $0.0e+00;
	v8 =	vld [tilespmem:s30+$0x3250];
	v34 =	vsub.f32 v4, v20;
	v14 =	vpop (erf);
	v19 =	vadd.f32 $-1.258291200e+07, v19  }
0x123: {  	v9 =	vld [tilespmem:s30+$0x3230];
	v36 =	vadd.f32 v45, v43;
	v32 =	vmul.f32 v14, v62;
	v14 =	vsel vm14, v40, v60  }
0x124: {  	s22 =	simm.s32 $0x8;
	v7 =	vld [tilespmem:s30+$0x3220];
	v37 =	vadd.f32 v44, v45;
	v14 =	vsel vm15, v59, v14;
	v19 =	vmul.f32 v19, v38  }
.LBB2_4:
0x125: {  	p0 =	slt.u32 s22, $0x2F8;
	vm0 =	vgt.f32 v35, $0.0e+00;
	v3 =	vsub.f32 v3, v25;
	v4 =	vsub.f32 v4, v30;
	s23 =	smov.u32 s22;
	s22 =	sadd.s32 $0x8, s22  }
0x126: {  	v32 =	vadd.f32 $1.258291200e+07, v32;
	vm1 =	vgt.f32 v36, $0.0e+00;
	vm2 =	vgt.f32 v37, $0.0e+00  }
0x127: {  	v18 =	vsel vm0, v18, v24;
	vm0 =	vgt.f32 v31, $0.0e+00;
	v24 =	vsel vm1, v29, v27  }
0x128: {  	v18 =	vsel vm0, v21, v18;
	v29 =	vadd.f32 v4, v33;
	v4 =	vadd.f32 v34, v4  }
0x129: {  	v12 =	vadd.f32 v19, v12;
	v27 =	vadd.f32 $-1.258291200e+07, v32;
	(erf) = vrcp.f32 v18  }
0x12a: {  	v19 =	vadd.f32 v28, v3;
	v24 =	vsel vm2, v26, v24;
	vm0 =	vgt.f32 v29, $0.0e+00;
	v21 =	vpop (erf)  }
0x12b: {  	v3 =	vadd.f32 v3, v22;
	v22 =	vsel vm0, v30, v23;
	[tilespmem:s30+$0x15270] =	vst v12;
	(erf) = vrcp.f32 v24  }
0x12c: {  	vm1 =	vgt.f32 v4, $0.0e+00;
	vm0 =	vgt.f32 v19, $0.0e+00;
	v11 =	vmul.f32 v21, v11;
	v12 =	vld [tilespmem:s30+$0xF200]  }
0x12d: {  	vm2 =	vgt.f32 v3, $0.0e+00;
	v4 =	vmul.f32 v27, v16;
	v3 =	vsel vm1, v20, v22  }
0x12e: {  	v15 =	vsel vm2, v25, v15;
	v11 =	vadd.f32 $1.258291200e+07, v11;
	v16 =	vld [tilespmem:s30+$0xF230];
	(erf) = vrcp.f32 v14  }
0x12f: {  	v13 =	vsel vm0, v13, v15;
	v4 =	vadd.f32 v4, v6;
	(erf) = vrcp.f32 v3  }
0x130: {  	v15 =	vadd.f32 $-1.258291200e+07, v11;
	v11 =	vld [tilespmem:s30+$0xF250];
	(erf) = vrcp.f32 v13  }
0x131: {  	v10 =	vsub.f32 v10, v12;
	v19 =	vld [tilespmem:s30+$0xF210];
	[tilespmem:s30+$0x15260] =	vst v4  }
0x132: {  	s3 =	smulhi.u32 $0xAAAAAAAB, s23;
	v15 =	vmul.f32 v15, v17;
	v6 =	vpop (erf)  }
0x133: {  	s24 =	smul.u32 $0xAAAB, s23;
	v6 =	vmul.f32 v6, v10;
	v10 =	vld [tilespmem:s30+$0xF220];
	v9 =	vsub.f32 v9, v16  }
0x134: {  	s3 =	sshrl.u32 s3, $0x4;
	v2 =	vadd.f32 v15, v2;
	v4 =	vpop (erf)  }
0x135: {  	s25 =	sshrl.u32 s24, $0x14;
	s24 =	sshrl.u32 s24, $0x17;
	s3 =	sand.u32 $0x7, s3;
	v6 =	vadd.f32 $1.258291200e+07, v6;
	v4 =	vmul.f32 v4, v9  }
0x136: {  	s24 =	ssub.s32 s24, s25;
	s3 =	sadd.s32 s3, s23;
	v5 =	vsub.f32 v5, v19;
	[tilespmem:s30+$0x15240] =	vst v2;
	v2 =	vsub.f32 v8, v11  }
0x137: {  	s23 =	smul.u32 $0xC00, s24;
	v6 =	vadd.f32 $-1.258291200e+07, v6;
	v4 =	vadd.f32 $1.258291200e+07, v4;
	v8 =	vpop (erf)  }
0x138: {  	s3 =	sshll.u32 s3, $0x7;
	v5 =	vmul.f32 v8, v5;
	v7 =	vsub.f32 v7, v10;
	v8 =	vpop (erf)  }
0x139: {  	s23 =	sadd.s32 s23, s3;
	v6 =	vmul.f32 v6, v18;
	v4 =	vadd.f32 $-1.258291200e+07, v4;
	v2 =	vmul.f32 v8, v2;
	v8 =	vpop (erf)  }
0x13a: {  	v9 =	vld [tilespmem:s23+$0x9270];
	v5 =	vadd.f32 $1.258291200e+07, v5;
	v7 =	vmul.f32 v8, v7  }
0x13b: {  	v8 =	vld [tilespmem:s23+$0x9240];
	v6 =	vadd.f32 v6, v12;
	v4 =	vmul.f32 v4, v24;
	v2 =	vadd.f32 $1.258291200e+07, v2  }
0x13c: {  	v12 =	vld [tilespmem:s23+$0x9260];
	v5 =	vadd.f32 $-1.258291200e+07, v5;
	v7 =	vadd.f32 $1.258291200e+07, v7  }
0x13d: {  	v18 =	vld [tilespmem:s23+$0x9250];
	[tilespmem:s30+$0x15200] =	vst v6;
	v4 =	vadd.f32 v4, v16;
	v2 =	vadd.f32 $-1.258291200e+07, v2  }
0x13e: {  	v6 =	vld [tilespmem:s23+$0x9220];
	v5 =	vmul.f32 v5, v14;
	v7 =	vadd.f32 $-1.258291200e+07, v7  }
0x13f: {  	v14 =	vld [tilespmem:s23+$0x9210];
	v21 =	vand.u32 $0x7FFFFFFF, v9;
	[tilespmem:s30+$0x15230] =	vst v4;
	v2 =	vmul.f32 v2, v3  }
0x140: {  	v9 =	vld [tilespmem:s23+$0x9200];
	v17 =	vand.u32 $0x7FFFFFFF, v8;
	v3 =	vcvt.s32.f32 v21;
	v4 =	vmul.f32 v7, v13  }
0x141: {  	v7 =	vld [tilespmem:s23+$0x9230];
	v8 =	vcvt.s32.f32 v17;
	v16 =	vand.u32 $0x7FFFFFFF, v12;
	v2 =	vadd.f32 v2, v11  }
0x142: {  	v5 =	vadd.f32 v5, v19;
	v15 =	vld [tilespmem:s23+$0x3270];
	v11 =	vmul.f32 v3, v0;
	v4 =	vadd.f32 v4, v10  }
0x143: {  	v3 =	vand.u32 $0x7FFFFFFF, v6;
	v6 =	vmul.f32 v8, v0;
	v13 =	vld [tilespmem:s23+$0x3260];
	v8 =	vcvt.s32.f32 v16;
	[tilespmem:s30+$0x15250] =	vst v2  }
0x144: {  	v20 =	vand.u32 $0x7FFFFFFF, v14;
	v12 =	vcvt.s32.f32 v3;
	v22 =	vld [tilespmem:s23+$0x3240];
	v11 =	vadd.f32 v11, v1;
	[tilespmem:s30+$0x15220] =	vst v4  }
0x145: {  	v4 =	vand.u32 $0x7FFFFFFF, v18;
	v23 =	vcvt.s32.f32 v20;
	v2 =	vld [tilespmem:s23+$0xF240];
	v6 =	vadd.f32 v6, v1;
	[tilespmem:s30+$0x15210] =	vst v5;
	s30 =	smov.u32 s23  }
0x146: {  	v19 =	vand.u32 $0x7FFFFFFF, v9;
	v8 =	vmul.f32 v8, v0;
	v10 =	vld [tilespmem:s30+$0x3200];
	v5 =	vtrunc.f32 v11  }
0x147: {  	v11 =	vmul.f32 v12, v0;
	v14 =	vand.u32 $0x7FFFFFFF, v7;
	v9 =	vld [tilespmem:s30+$0x3230];
	v12 =	vcvt.f32.s32 v5  }
0x148: {  	v24 =	vcvt.s32.f32 v4;
	v18 =	vcvt.s32.f32 v19;
	v25 =	vadd.f32 v8, v1;
	v5 =	vld [tilespmem:s30+$0x3210]  }
0x149: {  	v26 =	vcvt.s32.f32 v14;
	v6 =	vtrunc.f32 v6;
	v8 =	vld [tilespmem:s30+$0x3250];
	vm0 =	vgt.s32 v12, $0x0  }
0x14a: {  	v23 =	vmul.f32 v23, v0;
	v25 =	vtrunc.f32 v25;
	v7 =	vld [tilespmem:s30+$0x3220];
	v12 =	vnsel vm0, $0x0, v12  }
0x14b: {  	v11 =	vadd.f32 v11, v1;
	v25 =	vcvt.f32.s32 v25;
	v12 =	vmin.u32 v12, $0x3E  }
0x14c: {  	v24 =	vmul.f32 v24, v0;
	v6 =	vcvt.f32.s32 v6;
	v23 =	vadd.f32 v23, v1  }
0x14d: {  	v18 =	vmul.f32 v18, v0;
	v26 =	vmul.f32 v26, v0;
	vm0 =	vgt.s32 v25, $0x0  }
0x14e: {  	vm1 =	vgt.s32 v6, $0x0;
	v23 =	vtrunc.f32 v23;
	v25 =	vnsel vm0, $0x0, v25  }
0x14f: {  	v11 =	vtrunc.f32 v11;
	v23 =	vcvt.f32.s32 v23;
	v25 =	vmin.u32 v25, $0x3E  }
0x150: {  	v24 =	vadd.f32 v24, v1;
	v18 =	vadd.f32 v18, v1;
	v11 =	vcvt.f32.s32 v11;
	v27 =	vld.idx.msk [tilespmem:v12+s2+$0x0], $0xffff  }
0x151: {  	v26 =	vadd.f32 v26, v1;
	v28 =	vnsel vm1, $0x0, v6;
	vm0 =	vgt.s32 v23, $0x0;
	v29 =	vld.idx.msk [tilespmem:v12+s21+$0x0], $0xffff  }
0x152: {  	v6 =	vnsel vm0, $0x0, v23;
	vm0 =	vgt.s32 v11, $0x0;
	v23 =	vtrunc.f32 v24;
	v24 =	vld.idx.msk [tilespmem:v12+s20+$0x0], $0xffff  }
0x153: {  	v30 =	vmin.u32 v6, $0x3E;
	v11 =	vnsel vm0, $0x0, v11;
	v12 =	vtrunc.f32 v26;
	v6 =	vld [tilespmem:s30+$0xF260]  }
0x154: {  	v18 =	vtrunc.f32 v18;
	v23 =	vcvt.f32.s32 v23;
	v26 =	vmin.u32 v28, $0x3E;
	v28 =	vld.idx.msk [tilespmem:v25+s2+$0x0], $0xffff  }
0x155: {  	v18 =	vcvt.f32.s32 v18;
	v31 =	vmin.u32 v11, $0x3E;
	v32 =	vcvt.f32.s32 v12;
	v33 =	vld.idx.msk [tilespmem:v25+s20+$0x0], $0xffff  }
0x156: {  	v11 =	vsub.f32 v22, v2;
	vm0 =	vgt.s32 v23, $0x0;
	v22 =	vld.idx.msk [tilespmem:v25+s21+$0x0], $0xffff;
	v25 =	vsub.f32 v21, v27  }
0x157: {  	vm1 =	vgt.s32 v18, $0x0;
	v23 =	vnsel vm0, $0x0, v23;
	v34 =	vsub.f32 v21, v29;
	v12 =	vld [tilespmem:s30+$0xF270]  }
0x158: {  	v18 =	vnsel vm1, $0x0, v18;
	v35 =	vmin.u32 v23, $0x3E;
	v21 =	vsub.f32 v21, v24;
	v36 =	vld.idx.msk [tilespmem:v30+s21+$0x0], $0xffff  }
0x159: {  	v23 =	vmin.u32 v18, $0x3E;
	vm0 =	vgt.s32 v32, $0x0;
	v38 =	vsub.f32 v13, v6;
	v37 =	vld.idx.msk [tilespmem:v26+s21+$0x0], $0xffff  }
0x15a: {  	v18 =	vnsel vm0, $0x0, v32;
	v25 =	vadd.f32 v21, v25;
	v21 =	vadd.f32 v34, v21;
	v39 =	vld.idx.msk [tilespmem:v30+s2+$0x0], $0xffff  }
0x15b: {  	v32 =	vmin.u32 v18, $0x3E;
	v18 =	vsub.f32 v16, v28;
	v34 =	vsub.f32 v16, v33;
	v13 =	vld.idx.msk [tilespmem:v31+s21+$0x0], $0xffff  }
0x15c: {  	v16 =	vsub.f32 v16, v22;
	vm0 =	vgt.f32 v25, $0.0e+00;
	vm1 =	vgt.f32 v21, $0.0e+00;
	v40 =	vld.idx.msk [tilespmem:v26+s20+$0x0], $0xffff  }
0x15d: {  	v21 =	vadd.f32 v34, v18;
	v24 =	vsel vm0, v24, v27;
	v42 =	vsub.f32 v15, v12;
	v41 =	vld.idx.msk [tilespmem:v26+s2+$0x0], $0xffff  }
0x15e: {  	v43 =	vsub.f32 v20, v36;
	v16 =	vadd.f32 v16, v34;
	v44 =	vsel vm1, v29, v24;
	v18 =	vld.idx.msk [tilespmem:v23+s20+$0x0], $0xffff  }
0x15f: {  	v26 =	vsub.f32 v17, v37;
	vm0 =	vgt.f32 v21, $0.0e+00;
	v15 =	vld.idx.msk [tilespmem:v31+s2+$0x0], $0xffff;
	(erf) = vrcp.f32 v44  }
0x160: {  	v21 =	vsel vm0, v33, v28;
	vm0 =	vgt.f32 v16, $0.0e+00;
	v24 =	vld.idx.msk [tilespmem:v23+s2+$0x0], $0xffff  }
0x161: {  	v16 =	vsel vm0, v22, v21;
	v45 =	vld.idx.msk [tilespmem:v30+s20+$0x0], $0xffff;
	v30 =	vsub.f32 v20, v39  }
0x162: {  	v21 =	vld.idx.msk [tilespmem:v23+s21+$0x0], $0xffff;
	v23 =	vsub.f32 v17, v40;
	(erf) = vrcp.f32 v16  }
0x163: {  	v17 =	vsub.f32 v17, v41;
	v25 =	vld.idx.msk [tilespmem:v31+s20+$0x0], $0xffff  }
0x164: {  	v27 =	vld.idx.msk [tilespmem:v32+s2+$0x0], $0xffff;
	v31 =	vadd.f32 v26, v23  }
0x165: {  	v22 =	vsub.f32 v3, v15;
	v17 =	vadd.f32 v23, v17;
	v23 =	vld.idx.msk [tilespmem:v35+s2+$0x0], $0xffff  }
0x166: {  	v26 =	vld.idx.msk [tilespmem:v32+s21+$0x0], $0xffff  }
0x167: {  	v28 =	vsub.f32 v3, v13;
	v33 =	vsub.f32 v20, v45;
	vm0 =	vgt.f32 v17, $0.0e+00;
	v29 =	vld.idx.msk [tilespmem:v32+s20+$0x0], $0xffff  }
0x168: {  	v32 =	vsub.f32 v19, v21;
	v17 =	vsel vm0, v40, v41;
	vm0 =	vgt.f32 v31, $0.0e+00;
	v20 =	vld.idx.msk [tilespmem:v35+s21+$0x0], $0xffff;
	v31 =	vpop (erf)  }
0x169: {  	v40 =	vsub.f32 v19, v24;
	v34 =	vadd.f32 v33, v30;
	v30 =	vld.idx.msk [tilespmem:v35+s20+$0x0], $0xffff;
	v31 =	vmul.f32 v31, v42  }
0x16a: {  	v19 =	vsub.f32 v19, v18;
	v33 =	vadd.f32 v43, v33;
	v17 =	vsel vm0, v37, v17  }
0x16b: {  	v37 =	vsub.f32 v14, v27;
	vm0 =	vgt.f32 v34, $0.0e+00;
	v34 =	vadd.f32 $1.258291200e+07, v31;
	v35 =	vpop (erf)  }
.Ltmp1:
0x16c: {  	vm1 =	vgt.f32 v33, $0.0e+00;
	v31 =	vadd.f32 v32, v19;
	v41 =	vsub.f32 v14, v26;
	(pc) =	sbr.rel @p0 .LBB2_4-.Ltmp1, $4  }
0x16d: {  	v42 =	vsub.f32 v14, v29;
	v14 =	vadd.f32 $-1.258291200e+07, v34;
	(erf) = vrcp.f32 v17  }
0x16e: {  	v33 =	vsub.f32 v4, v23;
	v32 =	vmul.f32 v35, v38;
	v34 =	vsub.f32 v4, v20  }
0x16f: {  	v35 =	vadd.f32 v19, v40;
	v38 =	vsel vm0, v45, v39;
	v19 =	vmul.f32 v14, v44  }
0x170: {  	v14 =	vsel vm1, v36, v38;
	v36 =	vadd.f32 v42, v37;
	v37 =	vadd.f32 v41, v42  }
0x171: {  	vm0 =	vgt.f32 v35, $0.0e+00;
	v3 =	vsub.f32 v3, v25;
	v4 =	vsub.f32 v4, v30  }
0x172: {  	vm7 =	vgt.f32 v31, $0.0e+00;
	vm1 =	vgt.f32 v36, $0.0e+00;
	v18 =	vsel vm0, v18, v24  }
0x173: {  	vm2 =	vgt.f32 v37, $0.0e+00;
	v18 =	vsel vm7, v21, v18;
	v21 =	vadd.f32 v4, v33  }
0x174: {  	v24 =	vsel vm1, v29, v27;
	v4 =	vadd.f32 v34, v4;
	v27 =	vadd.f32 v28, v3  }
0x175: {  	v3 =	vadd.f32 v3, v22;
	(erf) = vrcp.f32 v18;
	v24 =	vsel vm2, v26, v24  }
0x176: {  	vm8 =	vgt.f32 v21, $0.0e+00;
	(erf) = vrcp.f32 v24;
	vm9 =	vgt.f32 v27, $0.0e+00  }
0x177: {  	vm10 =	vgt.f32 v4, $0.0e+00;
	vm11 =	vgt.f32 v3, $0.0e+00;
	v21 =	vsel vm8, v30, v23  }
0x178: {  	v4 =	vsel vm11, v25, v15;
	(erf) = vrcp.f32 v14;
	v3 =	vsel vm10, v20, v21  }
0x179: {  	v22 =	vld [tilespmem:s30+$0xF220];
	v4 =	vsel vm9, v13, v4;
	(erf) = vrcp.f32 v3  }
0x17a: {  	v13 =	vld [tilespmem:s30+$0xF200];
	v20 =	vadd.f32 $1.258291200e+07, v32;
	(erf) = vrcp.f32 v4  }
0x17b: {  	v15 =	vld [tilespmem:s30+$0xF230]  }
0x17c: {  	v21 =	vld [tilespmem:s30+$0xF250];
	v20 =	vadd.f32 $-1.258291200e+07, v20;
	_ =	sdelay $0x1  }
0x17d: {  	v23 =	vpop (erf);
	v25 =	vld [tilespmem:s30+$0xF210];
	v16 =	vmul.f32 v20, v16  }
0x17e: {  	v11 =	vmul.f32 v23, v11;
	v10 =	vsub.f32 v10, v13;
	v23 =	vpop (erf)  }
0x17f: {  	v12 =	vadd.f32 v19, v12;
	v9 =	vsub.f32 v9, v15;
	v19 =	vpop (erf)  }
0x180: {  	v7 =	vsub.f32 v7, v22;
	v8 =	vsub.f32 v8, v21;
	v10 =	vmul.f32 v23, v10;
	v20 =	vpop (erf)  }
0x181: {  	v11 =	vadd.f32 $1.258291200e+07, v11;
	v6 =	vadd.f32 v16, v6;
	v9 =	vmul.f32 v19, v9;
	v16 =	vpop (erf)  }
0x182: {  	v5 =	vsub.f32 v5, v25;
	v10 =	vadd.f32 $1.258291200e+07, v10;
	v8 =	vmul.f32 v16, v8;
	v16 =	vpop (erf)  }
0x183: {  	v11 =	vadd.f32 $-1.258291200e+07, v11;
	v9 =	vadd.f32 $1.258291200e+07, v9;
	v7 =	vmul.f32 v16, v7  }
0x184: {  	v5 =	vmul.f32 v20, v5;
	v10 =	vadd.f32 $-1.258291200e+07, v10;
	v8 =	vadd.f32 $1.258291200e+07, v8  }
0x185: {  	v11 =	vmul.f32 v11, v17;
	v9 =	vadd.f32 $-1.258291200e+07, v9;
	v7 =	vadd.f32 $1.258291200e+07, v7  }
0x186: {  	v5 =	vadd.f32 $1.258291200e+07, v5;
	v10 =	vmul.f32 v10, v18;
	v8 =	vadd.f32 $-1.258291200e+07, v8  }
0x187: {  	[tilespmem:s30+$0x15270] =	vst v12;
	v2 =	vadd.f32 v11, v2;
	v9 =	vmul.f32 v9, v24;
	v7 =	vadd.f32 $-1.258291200e+07, v7  }
0x188: {  	[tilespmem:s30+$0x15260] =	vst v6;
	v5 =	vadd.f32 $-1.258291200e+07, v5;
	v6 =	vadd.f32 v10, v13;
	v3 =	vmul.f32 v8, v3  }
0x189: {  	[tilespmem:s30+$0x15240] =	vst v2;
	v2 =	vadd.f32 v9, v15;
	v4 =	vmul.f32 v7, v4  }
0x18a: {  	v5 =	vmul.f32 v5, v14;
	[tilespmem:s30+$0x15200] =	vst v6;
	v3 =	vadd.f32 v3, v21  }
0x18b: {  	[tilespmem:s30+$0x15230] =	vst v2;
	v2 =	vadd.f32 v4, v22  }
0x18c: {  	v4 =	vadd.f32 v5, v25;
	[tilespmem:s30+$0x15250] =	vst v3  }
0x18d: {  	[tilespmem:s30+$0x15220] =	vst v2  }
0x18e: {  	s3 =	simm.s32 $0x0;
	s22 =	simm.s32 $0x15200;
	[tilespmem:s30+$0x15210] =	vst v4  }
0x18f: {  	[hbm4b:s17+s3] =	stream.linear.scatter [tilespmem:s22], [sflag:$0x4], $0x3000, $0x38;
	[tilespmem:$0x18200] =	vst v63  }
0x190: {  	_ =	swait.ge [sflag:s31], $0x3000  }
0x191: {  	[sflag:s31] =	ssyncset.done $0x0  }
0x192: {  	[sflag:s31] =	ssyncadd.s32 $0xFFFFD000  }
0x193: {  	_ =	swait.ge [sflag:s31], $0x3000  }
0x194: {  	s25 =	smulhi.u32 $0xAAAAAAAB, s3;
	[sflag:s31] =	ssyncset.done $0x0  }
0x195: {  	s3 =	smul.u32 $0xAAAB, s3;
	[sflag:s31] =	ssyncadd.s32 $0xFFFFD000  }
0x196: {  	s22 =	sshrl.u32 s25, $0x4;
	_ =	swait.ge [sflag:s31], $0x3000  }
0x197: {  	s23 =	sshrl.u32 s3, $0x14;
	s3 =	sshrl.u32 s3, $0x17;
	[sflag:s31] =	ssyncset.done $0x0  }
0x198: {  	s22 =	sand.u32 $0x7, s22;
	s3 =	ssub.s32 s3, s23;
	[sflag:s31] =	ssyncadd.s32 $0xFFFFD000  }
0x199: {  	s22 =	sadd.s32 $0x0, s22;
	s3 =	smul.u32 $0xC00, s3;
	_ =	swait.ge [sflag:s26], $0x3000  }
0x19a: {  	s22 =	sshll.u32 s22, $0x7;
	[sflag:s26] =	ssyncset.done $0x0  }
0x19b: {  	s30 =	sadd.s32 s3, s22;
	[sflag:s26] =	ssyncadd.s32 $0xFFFFD000  }
0x19c: {  	v2 =	vld [tilespmem:s30+$0x6270]  }
0x19d: {  	v3 =	vld [tilespmem:s30+$0x6240]  }
0x19e: {  	v5 =	vld [tilespmem:s30+$0x6220]  }
0x19f: {  	v6 =	vld [tilespmem:s30+$0x6210]  }
0x1a0: {  	v4 =	vld [tilespmem:s30+$0x6260];
	_ =	sdelay $0x1  }
0x1a1: {  	v8 =	vand.u32 $0x7FFFFFFF, v2  }
0x1a2: {  	v11 =	vld [tilespmem:s30+$0x6200];
	v9 =	vand.u32 $0x7FFFFFFF, v3;
	v3 =	vand.u32 $0x7FFFFFFF, v5;
	v2 =	vcvt.s32.f32 v8  }
0x1a3: {  	v10 =	vld [tilespmem:s30+$0x6250];
	v14 =	vand.u32 $0x7FFFFFFF, v6;
	v7 =	vcvt.s32.f32 v9;
	v6 =	vcvt.s32.f32 v3  }
0x1a4: {  	v13 =	vand.u32 $0x7FFFFFFF, v4;
	v12 =	vcvt.s32.f32 v14;
	v2 =	vmul.f32 v2, v0  }
0x1a5: {  	v5 =	vld [tilespmem:s30+$0x6230];
	v4 =	vmul.f32 v7, v0;
	v7 =	vcvt.s32.f32 v13  }
0x1a6: {  	v6 =	vmul.f32 v6, v0;
	v2 =	vadd.f32 v2, v1  }
0x1a7: {  	v17 =	vand.u32 $0x7FFFFFFF, v11;
	v11 =	vmul.f32 v12, v0;
	v7 =	vmul.f32 v7, v0  }
0x1a8: {  	v15 =	vadd.f32 v4, v1;
	v4 =	vand.u32 $0x7FFFFFFF, v10;
	v2 =	vtrunc.f32 v2  }
0x1a9: {  	v11 =	vadd.f32 v11, v1;
	v6 =	vadd.f32 v6, v1;
	v2 =	vcvt.f32.s32 v2  }
0x1aa: {  	v12 =	vcvt.s32.f32 v4;
	v10 =	vadd.f32 v7, v1;
	v7 =	vand.u32 $0x7FFFFFFF, v5  }
0x1ab: {  	v5 =	vcvt.s32.f32 v17;
	v11 =	vtrunc.f32 v11;
	vm12 =	vgt.s32 v2, $0x0  }
0x1ac: {  	v6 =	vtrunc.f32 v6;
	v18 =	vcvt.s32.f32 v7;
	v2 =	vnsel vm12, $0x0, v2  }
0x1ad: {  	v12 =	vmul.f32 v12, v0;
	v10 =	vtrunc.f32 v10;
	v16 =	vmin.u32 v2, $0x3E  }
0x1ae: {  	v19 =	vld [tilespmem:s30+$0x270];
	v11 =	vcvt.f32.s32 v11;
	v10 =	vcvt.f32.s32 v10  }
0x1af: {  	v21 =	vld [tilespmem:s30+$0x240];
	v23 =	vcvt.f32.s32 v6;
	v5 =	vmul.f32 v5, v0  }
0x1b0: {  	v18 =	vmul.f32 v18, v0;
	v2 =	vtrunc.f32 v15;
	v15 =	vld [tilespmem:s30+$0x260];
	vm13 =	vgt.s32 v10, $0x0  }
0x1b1: {  	v12 =	vadd.f32 v12, v1;
	v20 =	vcvt.f32.s32 v2;
	v10 =	vnsel vm13, $0x0, v10;
	v2 =	vld [tilespmem:s30+$0xC240]  }
0x1b2: {  	vm15 =	vgt.s32 v11, $0x0;
	v5 =	vadd.f32 v5, v1;
	v10 =	vmin.u32 v10, $0x3E;
	v22 =	vld.idx.msk [tilespmem:v16+s2+$0x0], $0xffff  }
0x1b3: {  	v6 =	vnsel vm15, $0x0, v11;
	v18 =	vadd.f32 v18, v1;
	v12 =	vtrunc.f32 v12;
	v24 =	vld.idx.msk [tilespmem:v16+s20+$0x0], $0xffff  }
0x1b4: {  	v5 =	vtrunc.f32 v5;
	v27 =	vcvt.f32.s32 v12;
	vm14 =	vgt.s32 v20, $0x0;
	v16 =	vld.idx.msk [tilespmem:v16+s21+$0x0], $0xffff  }
0x1b5: {  	v12 =	vld [tilespmem:s30+$0xC270];
	v5 =	vcvt.f32.s32 v5;
	v11 =	vnsel vm14, $0x0, v20;
	v20 =	vmin.u32 v6, $0x3E  }
0x1b6: {  	v18 =	vtrunc.f32 v18;
	v6 =	vld [tilespmem:s30+$0xC260];
	v25 =	vmin.u32 v11, $0x3E  }
0x1b7: {  	vm4 =	vgt.s32 v23, $0x0;
	v18 =	vcvt.f32.s32 v18;
	vm5 =	vgt.s32 v5, $0x0;
	v26 =	vld.idx.msk [tilespmem:v10+s2+$0x0], $0xffff  }
0x1b8: {  	v11 =	vnsel vm4, $0x0, v23;
	v23 =	vld.idx.msk [tilespmem:v10+s20+$0x0], $0xffff;
	v28 =	vsub.f32 v8, v22;
	v29 =	vsub.f32 v8, v24  }
0x1b9: {  	vm6 =	vgt.s32 v27, $0x0;
	v5 =	vnsel vm5, $0x0, v5;
	v10 =	vld.idx.msk [tilespmem:v10+s21+$0x0], $0xffff;
	v8 =	vsub.f32 v8, v16  }
0x1ba: {  	vm9 =	vgt.s32 v18, $0x0;
	v30 =	vmin.u32 v11, $0x3E;
	v59 =	vld.idx.msk [tilespmem:v20+s21+$0x0], $0xffff;
	v28 =	vadd.f32 v29, v28  }
0x1bb: {  	v11 =	vsub.f32 v21, v2;
	v5 =	vmin.u32 v5, $0x3E;
	v31 =	vld.idx.msk [tilespmem:v25+s21+$0x0], $0xffff;
	v8 =	vadd.f32 v8, v29  }
0x1bc: {  	v19 =	vsub.f32 v19, v12;
	v61 =	vld.idx.msk [tilespmem:v25+s20+$0x0], $0xffff;
	v21 =	vsub.f32 v13, v26;
	vm7 =	vgt.f32 v28, $0.0e+00  }
0x1bd: {  	v25 =	vld.idx.msk [tilespmem:v25+s2+$0x0], $0xffff;
	v28 =	vsub.f32 v13, v23;
	vm8 =	vgt.f32 v8, $0.0e+00;
	v8 =	vsel vm7, v24, v22  }
0x1be: {  	v60 =	vld.idx.msk [tilespmem:v20+s2+$0x0], $0xffff;
	v62 =	vsub.f32 v15, v6;
	v22 =	vsub.f32 v13, v10;
	v38 =	vsel vm8, v16, v8  }
0x1bf: {  	v40 =	vld.idx.msk [tilespmem:v20+s20+$0x0], $0xffff;
	v8 =	vnsel vm9, $0x0, v18;
	v16 =	vadd.f32 v28, v21;
	v21 =	vnsel vm6, $0x0, v27  }
0x1c0: {  	v15 =	vld.idx.msk [tilespmem:v30+s2+$0x0], $0xffff;
	(erf) = vrcp.f32 v38;
	v8 =	vmin.u32 v8, $0x3E;
	v22 =	vadd.f32 v22, v28  }
0x1c1: {  	v63 =	vsub.f32 v14, v59;
	v13 =	vld.idx.msk [tilespmem:v30+s21+$0x0], $0xffff;
	v39 =	vmin.u32 v21, $0x3E;
	vm10 =	vgt.f32 v16, $0.0e+00  }
0x1c2: {  	v20 =	vsub.f32 v9, v25;
	v24 =	vld.idx.msk [tilespmem:v5+s2+$0x0], $0xffff;
	v16 =	vsel vm10, v23, v26;
	vm11 =	vgt.f32 v22, $0.0e+00  }
0x1c3: {  	v18 =	vld.idx.msk [tilespmem:v5+s20+$0x0], $0xffff;
	v16 =	vsel vm11, v10, v16;
	v10 =	vsub.f32 v9, v61;
	v9 =	vsub.f32 v9, v31  }
0x1c4: {  	v21 =	vld.idx.msk [tilespmem:v5+s21+$0x0], $0xffff;
	v5 =	vsub.f32 v14, v60;
	v14 =	vsub.f32 v14, v40  }
0x1c5: {  	v22 =	vsub.f32 v3, v15;
	(erf) = vrcp.f32 v16;
	v27 =	vld.idx.msk [tilespmem:v8+s2+$0x0], $0xffff;
	v9 =	vadd.f32 v9, v10  }
0x1c6: {  	v5 =	vadd.f32 v14, v5;
	v14 =	vadd.f32 v63, v14;
	v23 =	vld.idx.msk [tilespmem:v39+s2+$0x0], $0xffff  }
0x1c7: {  	v28 =	vsub.f32 v3, v13;
	v20 =	vadd.f32 v10, v20;
	v26 =	vld.idx.msk [tilespmem:v8+s21+$0x0], $0xffff  }
0x1c8: {  	v41 =	vsub.f32 v17, v24;
	v42 =	vsub.f32 v17, v18;
	vm14 =	vgt.f32 v5, $0.0e+00;
	v29 =	vld.idx.msk [tilespmem:v8+s20+$0x0], $0xffff  }
0x1c9: {  	v8 =	vsub.f32 v17, v21;
	vm12 =	vgt.f32 v20, $0.0e+00;
	vm13 =	vgt.f32 v9, $0.0e+00;
	v20 =	vld.idx.msk [tilespmem:v39+s21+$0x0], $0xffff;
	v9 =	vpop (erf)  }
0x1ca: {  	v5 =	vld [tilespmem:s30+$0x210];
	v35 =	vadd.f32 v42, v41;
	v25 =	vsel vm12, v61, v25;
	v19 =	vmul.f32 v9, v19  }
0x1cb: {  	v17 =	vsel vm13, v31, v25;
	v31 =	vadd.f32 v8, v42;
	v25 =	vld.idx.msk [tilespmem:v30+s20+$0x0], $0xffff;
	v43 =	vsub.f32 v7, v27  }
0x1cc: {  	v30 =	vld.idx.msk [tilespmem:v39+s20+$0x0], $0xffff;
	v44 =	vsub.f32 v7, v26;
	v19 =	vadd.f32 $1.258291200e+07, v19  }
0x1cd: {  	v10 =	vld [tilespmem:s30+$0x200];
	v45 =	vsub.f32 v7, v29;
	(erf) = vrcp.f32 v17;
	v33 =	vsub.f32 v4, v23  }
0x1ce: {  	vm15 =	vgt.f32 v14, $0.0e+00;
	v8 =	vld [tilespmem:s30+$0x250];
	v34 =	vsub.f32 v4, v20;
	v14 =	vpop (erf);
	v19 =	vadd.f32 $-1.258291200e+07, v19  }
0x1cf: {  	v9 =	vld [tilespmem:s30+$0x230];
	v36 =	vadd.f32 v45, v43;
	v32 =	vmul.f32 v14, v62;
	v14 =	vsel vm14, v40, v60  }
0x1d0: {  	s22 =	simm.s32 $0x8;
	v7 =	vld [tilespmem:s30+$0x220];
	v37 =	vadd.f32 v44, v45;
	v14 =	vsel vm15, v59, v14;
	v19 =	vmul.f32 v19, v38  }
.LBB2_6:
0x1d1: {  	p0 =	slt.u32 s22, $0x2F8;
	vm0 =	vgt.f32 v35, $0.0e+00;
	v3 =	vsub.f32 v3, v25;
	v4 =	vsub.f32 v4, v30;
	s23 =	smov.u32 s22;
	s22 =	sadd.s32 $0x8, s22  }
0x1d2: {  	v32 =	vadd.f32 $1.258291200e+07, v32;
	vm1 =	vgt.f32 v36, $0.0e+00;
	vm2 =	vgt.f32 v37, $0.0e+00  }
0x1d3: {  	v18 =	vsel vm0, v18, v24;
	vm0 =	vgt.f32 v31, $0.0e+00;
	v24 =	vsel vm1, v29, v27  }
0x1d4: {  	v18 =	vsel vm0, v21, v18;
	v29 =	vadd.f32 v4, v33;
	v4 =	vadd.f32 v34, v4  }
0x1d5: {  	v12 =	vadd.f32 v19, v12;
	v27 =	vadd.f32 $-1.258291200e+07, v32;
	(erf) = vrcp.f32 v18  }
0x1d6: {  	v19 =	vadd.f32 v28, v3;
	v24 =	vsel vm2, v26, v24;
	vm0 =	vgt.f32 v29, $0.0e+00;
	v21 =	vpop (erf)  }
0x1d7: {  	v3 =	vadd.f32 v3, v22;
	v22 =	vsel vm0, v30, v23;
	[tilespmem:s30+$0x12270] =	vst v12;
	(erf) = vrcp.f32 v24  }
0x1d8: {  	vm1 =	vgt.f32 v4, $0.0e+00;
	vm0 =	vgt.f32 v19, $0.0e+00;
	v11 =	vmul.f32 v21, v11;
	v12 =	vld [tilespmem:s30+$0xC200]  }
0x1d9: {  	vm2 =	vgt.f32 v3, $0.0e+00;
	v4 =	vmul.f32 v27, v16;
	v3 =	vsel vm1, v20, v22  }
0x1da: {  	v15 =	vsel vm2, v25, v15;
	v11 =	vadd.f32 $1.258291200e+07, v11;
	v16 =	vld [tilespmem:s30+$0xC230];
	(erf) = vrcp.f32 v14  }
0x1db: {  	v13 =	vsel vm0, v13, v15;
	v4 =	vadd.f32 v4, v6;
	(erf) = vrcp.f32 v3  }
0x1dc: {  	v15 =	vadd.f32 $-1.258291200e+07, v11;
	v11 =	vld [tilespmem:s30+$0xC250];
	(erf) = vrcp.f32 v13  }
0x1dd: {  	v10 =	vsub.f32 v10, v12;
	v19 =	vld [tilespmem:s30+$0xC210];
	[tilespmem:s30+$0x12260] =	vst v4  }
0x1de: {  	s3 =	smulhi.u32 $0xAAAAAAAB, s23;
	v15 =	vmul.f32 v15, v17;
	v6 =	vpop (erf)  }
0x1df: {  	s24 =	smul.u32 $0xAAAB, s23;
	v6 =	vmul.f32 v6, v10;
	v10 =	vld [tilespmem:s30+$0xC220];
	v9 =	vsub.f32 v9, v16  }
0x1e0: {  	s3 =	sshrl.u32 s3, $0x4;
	v2 =	vadd.f32 v15, v2;
	v4 =	vpop (erf)  }
0x1e1: {  	s25 =	sshrl.u32 s24, $0x14;
	s24 =	sshrl.u32 s24, $0x17;
	s3 =	sand.u32 $0x7, s3;
	v6 =	vadd.f32 $1.258291200e+07, v6;
	v4 =	vmul.f32 v4, v9  }
0x1e2: {  	s24 =	ssub.s32 s24, s25;
	s3 =	sadd.s32 s3, s23;
	v5 =	vsub.f32 v5, v19;
	[tilespmem:s30+$0x12240] =	vst v2;
	v2 =	vsub.f32 v8, v11  }
0x1e3: {  	s23 =	smul.u32 $0xC00, s24;
	v6 =	vadd.f32 $-1.258291200e+07, v6;
	v4 =	vadd.f32 $1.258291200e+07, v4;
	v8 =	vpop (erf)  }
0x1e4: {  	s3 =	sshll.u32 s3, $0x7;
	v5 =	vmul.f32 v8, v5;
	v7 =	vsub.f32 v7, v10;
	v8 =	vpop (erf)  }
0x1e5: {  	s23 =	sadd.s32 s23, s3;
	v6 =	vmul.f32 v6, v18;
	v4 =	vadd.f32 $-1.258291200e+07, v4;
	v2 =	vmul.f32 v8, v2;
	v8 =	vpop (erf)  }
0x1e6: {  	v9 =	vld [tilespmem:s23+$0x6270];
	v5 =	vadd.f32 $1.258291200e+07, v5;
	v7 =	vmul.f32 v8, v7  }
0x1e7: {  	v8 =	vld [tilespmem:s23+$0x6240];
	v6 =	vadd.f32 v6, v12;
	v4 =	vmul.f32 v4, v24;
	v2 =	vadd.f32 $1.258291200e+07, v2  }
0x1e8: {  	v12 =	vld [tilespmem:s23+$0x6260];
	v5 =	vadd.f32 $-1.258291200e+07, v5;
	v7 =	vadd.f32 $1.258291200e+07, v7  }
0x1e9: {  	v18 =	vld [tilespmem:s23+$0x6250];
	[tilespmem:s30+$0x12200] =	vst v6;
	v4 =	vadd.f32 v4, v16;
	v2 =	vadd.f32 $-1.258291200e+07, v2  }
0x1ea: {  	v6 =	vld [tilespmem:s23+$0x6220];
	v5 =	vmul.f32 v5, v14;
	v7 =	vadd.f32 $-1.258291200e+07, v7  }
0x1eb: {  	v14 =	vld [tilespmem:s23+$0x6210];
	v21 =	vand.u32 $0x7FFFFFFF, v9;
	[tilespmem:s30+$0x12230] =	vst v4;
	v2 =	vmul.f32 v2, v3  }
0x1ec: {  	v9 =	vld [tilespmem:s23+$0x6200];
	v17 =	vand.u32 $0x7FFFFFFF, v8;
	v3 =	vcvt.s32.f32 v21;
	v4 =	vmul.f32 v7, v13  }
0x1ed: {  	v7 =	vld [tilespmem:s23+$0x6230];
	v8 =	vcvt.s32.f32 v17;
	v16 =	vand.u32 $0x7FFFFFFF, v12;
	v2 =	vadd.f32 v2, v11  }
0x1ee: {  	v5 =	vadd.f32 v5, v19;
	v15 =	vld [tilespmem:s23+$0x270];
	v11 =	vmul.f32 v3, v0;
	v4 =	vadd.f32 v4, v10  }
0x1ef: {  	v3 =	vand.u32 $0x7FFFFFFF, v6;
	v6 =	vmul.f32 v8, v0;
	v13 =	vld [tilespmem:s23+$0x260];
	v8 =	vcvt.s32.f32 v16;
	[tilespmem:s30+$0x12250] =	vst v2  }
0x1f0: {  	v20 =	vand.u32 $0x7FFFFFFF, v14;
	v12 =	vcvt.s32.f32 v3;
	v22 =	vld [tilespmem:s23+$0x240];
	v11 =	vadd.f32 v11, v1;
	[tilespmem:s30+$0x12220] =	vst v4  }
0x1f1: {  	v4 =	vand.u32 $0x7FFFFFFF, v18;
	v23 =	vcvt.s32.f32 v20;
	v2 =	vld [tilespmem:s23+$0xC240];
	v6 =	vadd.f32 v6, v1;
	[tilespmem:s30+$0x12210] =	vst v5;
	s30 =	smov.u32 s23  }
0x1f2: {  	v19 =	vand.u32 $0x7FFFFFFF, v9;
	v8 =	vmul.f32 v8, v0;
	v10 =	vld [tilespmem:s30+$0x200];
	v5 =	vtrunc.f32 v11  }
0x1f3: {  	v11 =	vmul.f32 v12, v0;
	v14 =	vand.u32 $0x7FFFFFFF, v7;
	v9 =	vld [tilespmem:s30+$0x230];
	v12 =	vcvt.f32.s32 v5  }
0x1f4: {  	v24 =	vcvt.s32.f32 v4;
	v18 =	vcvt.s32.f32 v19;
	v25 =	vadd.f32 v8, v1;
	v5 =	vld [tilespmem:s30+$0x210]  }
0x1f5: {  	v26 =	vcvt.s32.f32 v14;
	v6 =	vtrunc.f32 v6;
	v8 =	vld [tilespmem:s30+$0x250];
	vm0 =	vgt.s32 v12, $0x0  }
0x1f6: {  	v23 =	vmul.f32 v23, v0;
	v25 =	vtrunc.f32 v25;
	v7 =	vld [tilespmem:s30+$0x220];
	v12 =	vnsel vm0, $0x0, v12  }
0x1f7: {  	v11 =	vadd.f32 v11, v1;
	v25 =	vcvt.f32.s32 v25;
	v12 =	vmin.u32 v12, $0x3E  }
0x1f8: {  	v24 =	vmul.f32 v24, v0;
	v6 =	vcvt.f32.s32 v6;
	v23 =	vadd.f32 v23, v1  }
0x1f9: {  	v18 =	vmul.f32 v18, v0;
	v26 =	vmul.f32 v26, v0;
	vm0 =	vgt.s32 v25, $0x0  }
0x1fa: {  	vm1 =	vgt.s32 v6, $0x0;
	v23 =	vtrunc.f32 v23;
	v25 =	vnsel vm0, $0x0, v25  }
0x1fb: {  	v11 =	vtrunc.f32 v11;
	v23 =	vcvt.f32.s32 v23;
	v25 =	vmin.u32 v25, $0x3E  }
0x1fc: {  	v24 =	vadd.f32 v24, v1;
	v18 =	vadd.f32 v18, v1;
	v11 =	vcvt.f32.s32 v11;
	v27 =	vld.idx.msk [tilespmem:v12+s2+$0x0], $0xffff  }
0x1fd: {  	v26 =	vadd.f32 v26, v1;
	v28 =	vnsel vm1, $0x0, v6;
	vm0 =	vgt.s32 v23, $0x0;
	v29 =	vld.idx.msk [tilespmem:v12+s21+$0x0], $0xffff  }
0x1fe: {  	v6 =	vnsel vm0, $0x0, v23;
	vm0 =	vgt.s32 v11, $0x0;
	v23 =	vtrunc.f32 v24;
	v24 =	vld.idx.msk [tilespmem:v12+s20+$0x0], $0xffff  }
0x1ff: {  	v30 =	vmin.u32 v6, $0x3E;
	v11 =	vnsel vm0, $0x0, v11;
	v12 =	vtrunc.f32 v26;
	v6 =	vld [tilespmem:s30+$0xC260]  }
0x200: {  	v18 =	vtrunc.f32 v18;
	v23 =	vcvt.f32.s32 v23;
	v26 =	vmin.u32 v28, $0x3E;
	v28 =	vld.idx.msk [tilespmem:v25+s2+$0x0], $0xffff  }
0x201: {  	v18 =	vcvt.f32.s32 v18;
	v31 =	vmin.u32 v11, $0x3E;
	v32 =	vcvt.f32.s32 v12;
	v33 =	vld.idx.msk [tilespmem:v25+s20+$0x0], $0xffff  }
0x202: {  	v11 =	vsub.f32 v22, v2;
	vm0 =	vgt.s32 v23, $0x0;
	v22 =	vld.idx.msk [tilespmem:v25+s21+$0x0], $0xffff;
	v25 =	vsub.f32 v21, v27  }
0x203: {  	vm1 =	vgt.s32 v18, $0x0;
	v23 =	vnsel vm0, $0x0, v23;
	v34 =	vsub.f32 v21, v29;
	v12 =	vld [tilespmem:s30+$0xC270]  }
0x204: {  	v18 =	vnsel vm1, $0x0, v18;
	v35 =	vmin.u32 v23, $0x3E;
	v21 =	vsub.f32 v21, v24;
	v36 =	vld.idx.msk [tilespmem:v30+s21+$0x0], $0xffff  }
0x205: {  	v23 =	vmin.u32 v18, $0x3E;
	vm0 =	vgt.s32 v32, $0x0;
	v38 =	vsub.f32 v13, v6;
	v37 =	vld.idx.msk [tilespmem:v26+s21+$0x0], $0xffff  }
0x206: {  	v18 =	vnsel vm0, $0x0, v32;
	v25 =	vadd.f32 v21, v25;
	v21 =	vadd.f32 v34, v21;
	v39 =	vld.idx.msk [tilespmem:v30+s2+$0x0], $0xffff  }
0x207: {  	v32 =	vmin.u32 v18, $0x3E;
	v18 =	vsub.f32 v16, v28;
	v34 =	vsub.f32 v16, v33;
	v13 =	vld.idx.msk [tilespmem:v31+s21+$0x0], $0xffff  }
0x208: {  	v16 =	vsub.f32 v16, v22;
	vm0 =	vgt.f32 v25, $0.0e+00;
	vm1 =	vgt.f32 v21, $0.0e+00;
	v40 =	vld.idx.msk [tilespmem:v26+s20+$0x0], $0xffff  }
0x209: {  	v21 =	vadd.f32 v34, v18;
	v24 =	vsel vm0, v24, v27;
	v42 =	vsub.f32 v15, v12;
	v41 =	vld.idx.msk [tilespmem:v26+s2+$0x0], $0xffff  }
0x20a: {  	v43 =	vsub.f32 v20, v36;
	v16 =	vadd.f32 v16, v34;
	v44 =	vsel vm1, v29, v24;
	v18 =	vld.idx.msk [tilespmem:v23+s20+$0x0], $0xffff  }
0x20b: {  	v26 =	vsub.f32 v17, v37;
	vm0 =	vgt.f32 v21, $0.0e+00;
	v15 =	vld.idx.msk [tilespmem:v31+s2+$0x0], $0xffff;
	(erf) = vrcp.f32 v44  }
0x20c: {  	v21 =	vsel vm0, v33, v28;
	vm0 =	vgt.f32 v16, $0.0e+00;
	v24 =	vld.idx.msk [tilespmem:v23+s2+$0x0], $0xffff  }
0x20d: {  	v16 =	vsel vm0, v22, v21;
	v45 =	vld.idx.msk [tilespmem:v30+s20+$0x0], $0xffff;
	v30 =	vsub.f32 v20, v39  }
0x20e: {  	v21 =	vld.idx.msk [tilespmem:v23+s21+$0x0], $0xffff;
	v23 =	vsub.f32 v17, v40;
	(erf) = vrcp.f32 v16  }
0x20f: {  	v17 =	vsub.f32 v17, v41;
	v25 =	vld.idx.msk [tilespmem:v31+s20+$0x0], $0xffff  }
0x210: {  	v27 =	vld.idx.msk [tilespmem:v32+s2+$0x0], $0xffff;
	v31 =	vadd.f32 v26, v23  }
0x211: {  	v22 =	vsub.f32 v3, v15;
	v17 =	vadd.f32 v23, v17;
	v23 =	vld.idx.msk [tilespmem:v35+s2+$0x0], $0xffff  }
0x212: {  	v26 =	vld.idx.msk [tilespmem:v32+s21+$0x0], $0xffff  }
0x213: {  	v28 =	vsub.f32 v3, v13;
	v33 =	vsub.f32 v20, v45;
	vm0 =	vgt.f32 v17, $0.0e+00;
	v29 =	vld.idx.msk [tilespmem:v32+s20+$0x0], $0xffff  }
0x214: {  	v32 =	vsub.f32 v19, v21;
	v17 =	vsel vm0, v40, v41;
	vm0 =	vgt.f32 v31, $0.0e+00;
	v20 =	vld.idx.msk [tilespmem:v35+s21+$0x0], $0xffff;
	v31 =	vpop (erf)  }
0x215: {  	v40 =	vsub.f32 v19, v24;
	v34 =	vadd.f32 v33, v30;
	v30 =	vld.idx.msk [tilespmem:v35+s20+$0x0], $0xffff;
	v31 =	vmul.f32 v31, v42  }
0x216: {  	v19 =	vsub.f32 v19, v18;
	v33 =	vadd.f32 v43, v33;
	v17 =	vsel vm0, v37, v17  }
0x217: {  	v37 =	vsub.f32 v14, v27;
	vm0 =	vgt.f32 v34, $0.0e+00;
	v34 =	vadd.f32 $1.258291200e+07, v31;
	v35 =	vpop (erf)  }
.Ltmp2:
0x218: {  	vm1 =	vgt.f32 v33, $0.0e+00;
	v31 =	vadd.f32 v32, v19;
	v41 =	vsub.f32 v14, v26;
	(pc) =	sbr.rel @p0 .LBB2_6-.Ltmp2, $4  }
0x219: {  	v42 =	vsub.f32 v14, v29;
	v14 =	vadd.f32 $-1.258291200e+07, v34;
	(erf) = vrcp.f32 v17  }
0x21a: {  	v33 =	vsub.f32 v4, v23;
	v32 =	vmul.f32 v35, v38;
	v34 =	vsub.f32 v4, v20  }
0x21b: {  	v35 =	vadd.f32 v19, v40;
	v38 =	vsel vm0, v45, v39;
	v19 =	vmul.f32 v14, v44  }
0x21c: {  	v14 =	vsel vm1, v36, v38;
	v36 =	vadd.f32 v42, v37;
	v37 =	vadd.f32 v41, v42  }
0x21d: {  	vm0 =	vgt.f32 v35, $0.0e+00;
	v0 =	vsub.f32 v3, v25;
	v1 =	vsub.f32 v4, v30  }
0x21e: {  	vm11 =	vgt.f32 v31, $0.0e+00;
	vm1 =	vgt.f32 v36, $0.0e+00;
	vm2 =	vgt.f32 v37, $0.0e+00  }
0x21f: {  	v43 =	vsel vm0, v18, v24;
	v44 =	vsel vm1, v29, v27;
	v45 =	vadd.f32 v1, v33  }
0x220: {  	v3 =	vsel vm11, v21, v43;
	v1 =	vadd.f32 v34, v1;
	v46 =	vadd.f32 v28, v0  }
0x221: {  	v0 =	vadd.f32 v0, v22;
	(erf) = vrcp.f32 v3;
	v4 =	vsel vm2, v26, v44  }
0x222: {  	vm12 =	vgt.f32 v45, $0.0e+00;
	(erf) = vrcp.f32 v4;
	vm13 =	vgt.f32 v46, $0.0e+00  }
0x223: {  	vm14 =	vgt.f32 v1, $0.0e+00;
	vm15 =	vgt.f32 v0, $0.0e+00;
	v18 =	vsel vm12, v30, v23  }
0x224: {  	v49 =	vld [tilespmem:s30+$0xC200];
	v48 =	vsel vm15, v25, v15;
	(erf) = vrcp.f32 v14;
	v47 =	vsel vm14, v20, v18  }
0x225: {  	v50 =	vld [tilespmem:s30+$0xC230];
	v1 =	vsel vm13, v13, v48;
	(erf) = vrcp.f32 v47  }
0x226: {  	v52 =	vld [tilespmem:s30+$0xC250];
	(erf) = vrcp.f32 v1  }
0x227: {  	v55 =	vld [tilespmem:s30+$0xC210]  }
0x228: {  	v51 =	vadd.f32 $1.258291200e+07, v32;
	v53 =	vld [tilespmem:s30+$0xC220]  }
0x229: {  	v12 =	vadd.f32 v19, v12  }
0x22a: {  	v54 =	vpop (erf);
	v10 =	vsub.f32 v10, v49;
	v18 =	vadd.f32 $-1.258291200e+07, v51  }
0x22b: {  	v9 =	vsub.f32 v9, v50;
	v8 =	vsub.f32 v8, v52;
	v11 =	vmul.f32 v54, v11;
	v56 =	vpop (erf)  }
0x22c: {  	v5 =	vsub.f32 v5, v55;
	v16 =	vmul.f32 v18, v16;
	v57 =	vpop (erf);
	v10 =	vmul.f32 v56, v10  }
0x22d: {  	v7 =	vsub.f32 v7, v53;
	v11 =	vadd.f32 $1.258291200e+07, v11;
	v58 =	vpop (erf);
	v9 =	vmul.f32 v57, v9  }
0x22e: {  	v6 =	vadd.f32 v16, v6;
	v10 =	vadd.f32 $1.258291200e+07, v10;
	v5 =	vmul.f32 v58, v5;
	v59 =	vpop (erf)  }
0x22f: {  	v11 =	vadd.f32 $-1.258291200e+07, v11;
	v9 =	vadd.f32 $1.258291200e+07, v9;
	v8 =	vmul.f32 v59, v8;
	v60 =	vpop (erf)  }
0x230: {  	v10 =	vadd.f32 $-1.258291200e+07, v10;
	v5 =	vadd.f32 $1.258291200e+07, v5;
	v7 =	vmul.f32 v60, v7  }
0x231: {  	v11 =	vmul.f32 v11, v17;
	v9 =	vadd.f32 $-1.258291200e+07, v9;
	v8 =	vadd.f32 $1.258291200e+07, v8  }
0x232: {  	v3 =	vmul.f32 v10, v3;
	v5 =	vadd.f32 $-1.258291200e+07, v5;
	v7 =	vadd.f32 $1.258291200e+07, v7  }
0x233: {  	[tilespmem:s30+$0x12270] =	vst v12;
	v2 =	vadd.f32 v11, v2;
	v4 =	vmul.f32 v9, v4;
	v8 =	vadd.f32 $-1.258291200e+07, v8  }
0x234: {  	[tilespmem:s30+$0x12260] =	vst v6;
	v3 =	vadd.f32 v3, v49;
	v62 =	vmul.f32 v5, v14;
	v7 =	vadd.f32 $-1.258291200e+07, v7  }
0x235: {  	[tilespmem:s30+$0x12240] =	vst v2;
	v61 =	vadd.f32 v4, v50;
	v0 =	vmul.f32 v8, v47  }
0x236: {  	[tilespmem:s30+$0x12200] =	vst v3;
	v63 =	vadd.f32 v62, v55;
	v1 =	vmul.f32 v7, v1  }
0x237: {  	[tilespmem:s30+$0x12230] =	vst v61;
	v0 =	vadd.f32 v0, v52  }
0x238: {  	[tilespmem:s30+$0x12210] =	vst v63;
	v1 =	vadd.f32 v1, v53  }
0x239: {  	[tilespmem:s30+$0x12250] =	vst v0  }
0x23a: {  	s29 =	sadd.s32 $0x1, s29;
	[tilespmem:s30+$0x12220] =	vst v1  }
0x23b: {  	[hbm4b:s18+s2] =	stream.linear.scatter [tilespmem:s1], [sflag:$0x3], $0x3000, $0x38;
	[tilespmem:$0x18200] =	vst v63  }
0x23c: {  	p0 =	sne.s32 s29, s19;
	_ =	swait.ge [sflag:s26], $0x3000  }
.Ltmp3:
0x23d: {  	[sflag:s26] =	ssyncset.done $0x0;
	(pc) =	sbr.rel @p0 .LBB2_1-.Ltmp3, $4  }
0x23e: {  	[sflag:s26] =	ssyncadd.s32 $0xFFFFD000  }
0x23f: {  	_ =	swait.ge [sflag:s28], $0x3000  }
0x240: {  	[sflag:s28] =	ssyncset.done $0x0  }
0x241: {  	[sflag:s28] =	ssyncadd.s32 $0xFFFFD000  }
0x242: {  	_ =	sfence.sel $0x180000  }
0x243: {  	[bflag:$0x0] =	sbarrier.arrive $0xFFFF  }
0x244: {  	_ =	strace $0x90000047  }
0x245: {  	s0 =	stileid.u32;
	[bflag:$0x2] =	sbarrier.arrive $0xFFFF  }
0x246: {  	p0 =	sne.s32 s0, $0x0;
	s0 =	rddreg [dreg:$0x5]  }
0x247: {  	s0 =	sadd.s32 @!p0 $0x100000, s0  }
0x248: {  	[sflag:s0] =	ssyncadd.tile.s32 @!p0 $0x1;
	_ =	shalt  }
.Lfunc_end2:
_tile_overlayer_lowered:
.L_overlay_start_2:
0x249: {  	(tag) =	ssettag $0x2  }
0x24a: {  	s0 =	rddreg [dreg:$0x0];
	s2 =	stileid.u32  }
0x24b: {  	s1 =	rddreg [dreg:$0x1];
	p0 =	sne.s32 s2, $0x0  }
0x24c: {  	s3 =	rddreg [dreg:$0x2];
	[bflag:$0x3] =	sbarrier.arrive $0xFFFF;
	s2 =	simm.s32 @!p0 $0x1C05  }
0x24d: {  	[timem:s3], [sflag:s2] =	dma.local @!p0 [hbm:s0], s1  }
0x24e: {  	s0 =	simm.s32 @!p0 $0x5  }
0x24f: {  	_ =	swait.ge @!p0 [sflag:s0], s1  }
0x250: {  	s1 =	ssub.s32 @!p0 $0x0, s1;
	[sflag:s0] =	ssyncset.done @!p0 $0x0  }
0x251: {  	[sflag:s0] =	ssyncadd.s32 @!p0 s1  }
0x252: {  	[bflag:$0x3] =	sbarrier.arrive $0xFFFF  }
0x253: {  	_ =	shalt  }

</sc_bundles>
